<compile_context>
chip_gen: v7x
topology: tpu7x:2x2x1
jax: 0.10.2.dev20260603
libtpu: 0.0.44.dev20260713+nightly
codegen_flags: <defaults>
</compile_context>

<pallas_src>
import functools

import jax
import jax.numpy as jnp
from jax import lax
from jax.experimental import pallas as pl
from jax.experimental.pallas import tpu as pltpu
from jax.experimental.pallas import tpu_sc as plsc

_LANES = 16


def _pick_chunk(per_worker: int) -> int:
    for c in range(128, 0, -8):
        if per_worker % c == 0:
            return c
    raise ValueError(f"no valid chunk for per_worker={per_worker}")


@functools.lru_cache(maxsize=None)
def _make_sc_loss(n_nodes: int, d_feat: int, e_pos: int, e_neg: int):
    info = plsc.get_sparse_core_info()
    nc, ns = info.num_cores, info.num_subcores
    nw = nc * ns
    assert d_feat % (2 * _LANES) == 0
    assert e_pos % nw == 0 and e_neg % nw == 0
    per_p = e_pos // nw
    per_n = e_neg // nw
    chunk = min(_pick_chunk(per_p), _pick_chunk(per_n))
    n_feat_vecs = d_feat // _LANES
    inv_total = 1.0 / float(e_pos + e_neg)

    mesh = plsc.VectorSubcoreMesh(core_axis_name="c", subcore_axis_name="s")

    @functools.partial(
        pl.kernel,
        mesh=mesh,
        out_type=jax.ShapeDtypeStruct((nw, _LANES), jnp.float32),
        scratch_types=[
            pltpu.VMEM((max(per_p, per_n),), jnp.int32),
            pltpu.VMEM((max(per_p, per_n),), jnp.int32),
            pltpu.VMEM((chunk, d_feat), jnp.float32),
            pltpu.VMEM((chunk, d_feat), jnp.float32),
            pltpu.VMEM((chunk, d_feat), jnp.float32),
            pltpu.VMEM((chunk, d_feat), jnp.float32),
            pltpu.VMEM((_LANES,), jnp.float32),
            pltpu.SemaphoreType.DMA,
            pltpu.SemaphoreType.DMA,
            pltpu.SemaphoreType.DMA,
            pltpu.SemaphoreType.DMA,
        ],
    )
    def sc_loss(h_hbm, ps_hbm, pd_hbm, ns_hbm, nd_hbm, out_hbm,
                idx_s, idx_d, rows_s0, rows_d0, rows_s1, rows_d1, outv,
                sem_s0, sem_d0, sem_s1, sem_d1):
        wid = lax.axis_index("s") * nc + lax.axis_index("c")
        bufs = ((rows_s0, rows_d0, sem_s0, sem_d0),
                (rows_s1, rows_d1, sem_s1, sem_d1))

        def issue(ci, b):
            rs, rd, ss, sd = bufs[b]
            off = ci * chunk
            pltpu.async_copy(h_hbm.at[idx_s.at[pl.ds(off, chunk)]], rs, ss)
            pltpu.async_copy(h_hbm.at[idx_d.at[pl.ds(off, chunk)]], rd, sd)

        def drain(b):
            rs, rd, ss, sd = bufs[b]
            pltpu.make_async_copy(h_hbm.at[idx_s.at[pl.ds(0, chunk)]], rs, ss).wait()
            pltpu.make_async_copy(h_hbm.at[idx_d.at[pl.ds(0, chunk)]], rd, sd).wait()

        def compute(b, accs):
            rs, rd = bufs[b][0], bufs[b][1]

            def edge_body(ei, a):
                return tuple(
                    a[dd] + (rs[ei, pl.ds(dd * _LANES, _LANES)]
                             * rd[ei, pl.ds(dd * _LANES, _LANES)])
                    for dd in range(n_feat_vecs))

            return lax.fori_loop(0, chunk, edge_body, accs)

        def phase(src_hbm, dst_hbm, per_w, accs):
            base = wid * per_w
            n = per_w // chunk
            pltpu.sync_copy(src_hbm.at[pl.ds(base, per_w)],
                            idx_s.at[pl.ds(0, per_w)])
            pltpu.sync_copy(dst_hbm.at[pl.ds(base, per_w)],
                            idx_d.at[pl.ds(0, per_w)])
            issue(0, 0)

            def pair_body(k, a):
                c0 = 2 * k

                @pl.when(c0 + 1 < n)
                def _():
                    issue(c0 + 1, 1)

                drain(0)
                a = compute(0, a)

                @pl.when(c0 + 2 < n)
                def _():
                    issue(c0 + 2, 0)

                drain(1)
                return compute(1, a)

            accs = lax.fori_loop(0, n // 2, pair_body, accs)
            if n % 2:
                drain(0)
                accs = compute(0, accs)
            return accs

        zero = tuple(jnp.zeros((_LANES,), jnp.float32)
                     for _ in range(n_feat_vecs))
        accs_p = phase(ps_hbm, pd_hbm, per_p, zero)
        accs_n = phase(ns_hbm, nd_hbm, per_n, zero)
        acc_p = functools.reduce(lambda x, y: x + y, accs_p)
        acc_n = functools.reduce(lambda x, y: x + y, accs_n)
        sum_label_score = 1.0 * acc_p + 0.0 * acc_n
        sum_label_lse = 1.0 * acc_p + 0.0 * acc_n
        outv[...] = (sum_label_score - sum_label_lse) * (-inv_total)
        pltpu.sync_copy(outv, out_hbm.at[wid])

    return sc_loss


def kernel(block_outputs, pos_edge_index, neg_edge_index):
    h = block_outputs
    n, d = h.shape
    ps = pos_edge_index[0].astype(jnp.int32)
    pd = pos_edge_index[1].astype(jnp.int32)
    ns = neg_edge_index[0].astype(jnp.int32)
    nd = neg_edge_index[1].astype(jnp.int32)
    f = _make_sc_loss(n, d, ps.shape[0], ns.shape[0])
    partials = f(h, ps, pd, ns, nd)
    return jnp.sum(partials)

# --- scband reference (transcript-rebuilt; emitter-appended) ---
"""Pipeline reference for scband-cross-entropy-loss-13013750907168 (READ-ONLY COPY).

The authoritative reference and input builder live on the scoring server;
editing this copy changes nothing except your own understanding.
"""

import jax, jax.numpy as jnp
import numpy as np


def setup_inputs(seed: int = 0) -> dict:
    key = jax.random.key(seed)
    k1, k2, k3 = jax.random.split(key, 3)
    n_nodes = 10000
    d_feat = 128
    e = 320000
    block_outputs = jax.random.normal(k1, (n_nodes, d_feat), dtype=jnp.float32)
    pos_edge_index = jax.random.randint(k2, (2, e), 0, n_nodes, dtype=jnp.int64)
    neg_edge_index = jax.random.randint(k3, (2, e), 0, n_nodes, dtype=jnp.int64)
    return {"block_outputs": block_outputs, "pos_edge_index": pos_edge_index, "neg_edge_index": neg_edge_index}


def _edge_dot(h, edge_index):
    # DGL fn.u_dot_v('h','h','score'): per-edge dot product, shape [E, 1]
    src = jnp.take(h, edge_index[0], axis=0)
    dst = jnp.take(h, edge_index[1], axis=0)
    return jnp.sum(src * dst, axis=-1, keepdims=True)


def reference(block_outputs, pos_edge_index, neg_edge_index):
    h = block_outputs
    pos_score = _edge_dot(h, pos_edge_index)  # [E_pos, 1]
    neg_score = _edge_dot(h, neg_edge_index)  # [E_neg, 1]
    score = jnp.concatenate([pos_score, neg_score], axis=0)  # [E_total, 1]
    label = jnp.concatenate([jnp.ones_like(pos_score), jnp.zeros_like(neg_score)], axis=0)  # float probs, [E_total, 1]
    # torch F.cross_entropy with float (probability) targets over class dim C=1:
    # loss_i = -sum_c target[i,c] * log_softmax(input[i])[c]; mean reduction
    logp = jax.nn.log_softmax(score, axis=1)
    loss = -jnp.mean(jnp.sum(label * logp, axis=1))
    return loss

if __name__ == "__main__":
    import jax
    _d = setup_inputs()
    print(jax.jit(kernel)(*tuple(_d.values())))

</pallas_src>

<mosaic_0001>
#map = affine_map<(d0, d1) -> (0, 0)>
#map1 = affine_map<(d0, d1) -> (0)>
module attributes {stable_mosaic.version = 14 : i64} {
  func.func @sc_loss(%arg0: i32, %arg1: i32, %arg2: memref<10000x128xf32, #tpu.memory_space<hbm>>, %arg3: memref<320000xi32, #tpu.memory_space<hbm>>, %arg4: memref<320000xi32, #tpu.memory_space<hbm>>, %arg5: memref<320000xi32, #tpu.memory_space<hbm>>, %arg6: memref<320000xi32, #tpu.memory_space<hbm>>, %arg7: memref<32x16xf32, #tpu.memory_space<hbm>>, %arg8: memref<10000xi32, #tpu.memory_space<vmem>>, %arg9: memref<10000xi32, #tpu.memory_space<vmem>>, %arg10: memref<80x128xf32, #tpu.memory_space<vmem>>, %arg11: memref<80x128xf32, #tpu.memory_space<vmem>>, %arg12: memref<80x128xf32, #tpu.memory_space<vmem>>, %arg13: memref<80x128xf32, #tpu.memory_space<vmem>>, %arg14: memref<16xf32, #tpu.memory_space<vmem>>, %arg15: memref<!tpu.dma_semaphore, #tpu.memory_space<semaphore_mem>>, %arg16: memref<!tpu.dma_semaphore, #tpu.memory_space<semaphore_mem>>, %arg17: memref<!tpu.dma_semaphore, #tpu.memory_space<semaphore_mem>>, %arg18: memref<!tpu.dma_semaphore, #tpu.memory_space<semaphore_mem>>) attributes {dimension_semantics = [#tpu.dimension_semantics<core_parallel>, #tpu.dimension_semantics<subcore_parallel>], iteration_bounds = array<i64: 2, 16>, scalar_prefetch = 0 : i64, scratch_operands = 11 : i64, tpu.core_type = #tpu.core_type<sc_vector_subcore>, window_params = [{transform_indices = #map}, {transform_indices = #map1}, {transform_indices = #map1}, {transform_indices = #map1}, {transform_indices = #map1}, {transform_indices = #map}]} {
    %mul3A = arith.constant 2 : i32
    %mul3A_0 = arith.muli %arg1, %mul3A : i32
    %add3A = arith.addi %mul3A_0, %arg0 : i32
    %broadcast_in_dim3A = arith.constant 0.000000e+00 : f32
    %broadcast_in_dim3A_1 = vector.broadcast %broadcast_in_dim3A : f32 to vector<16xf32>
    %broadcast_in_dim3A_2 = arith.constant 0.000000e+00 : f32
    %broadcast_in_dim3A_3 = vector.broadcast %broadcast_in_dim3A_2 : f32 to vector<16xf32>
    %broadcast_in_dim3A_4 = arith.constant 0.000000e+00 : f32
    %broadcast_in_dim3A_5 = vector.broadcast %broadcast_in_dim3A_4 : f32 to vector<16xf32>
    %broadcast_in_dim3A_6 = arith.constant 0.000000e+00 : f32
    %broadcast_in_dim3A_7 = vector.broadcast %broadcast_in_dim3A_6 : f32 to vector<16xf32>
    %broadcast_in_dim3A_8 = arith.constant 0.000000e+00 : f32
    %broadcast_in_dim3A_9 = vector.broadcast %broadcast_in_dim3A_8 : f32 to vector<16xf32>
    %broadcast_in_dim3A_10 = arith.constant 0.000000e+00 : f32
    %broadcast_in_dim3A_11 = vector.broadcast %broadcast_in_dim3A_10 : f32 to vector<16xf32>
    %broadcast_in_dim3A_12 = arith.constant 0.000000e+00 : f32
    %broadcast_in_dim3A_13 = vector.broadcast %broadcast_in_dim3A_12 : f32 to vector<16xf32>
    %broadcast_in_dim3A_14 = arith.constant 0.000000e+00 : f32
    %broadcast_in_dim3A_15 = vector.broadcast %broadcast_in_dim3A_14 : f32 to vector<16xf32>
    %mul3A_16 = arith.constant 10000 : i32
    %mul3A_17 = arith.muli %add3A, %mul3A_16 : i32
    "tpu.region"() ({
      %run_scoped3A = tpu.sem_alloc : memref<!tpu.dma_semaphore, #tpu.memory_space<semaphore_mem>>
      %dma_start3A_115 = arith.constant 0 : i32
      %dma_start3A_116 = tpu.memref_slice %arg8[%dma_start3A_115] : memref<10000xi32, #tpu.memory_space<vmem>> -> memref<10000xi32, #tpu.memory_space<vmem>>
      %dma_start3A_117 = tpu.memref_slice %arg3[%mul3A_17] : memref<320000xi32, #tpu.memory_space<hbm>> -> memref<10000xi32, #tpu.memory_space<hbm>>
      %dma_start3A_118 = arith.constant 0 : i32
      %dma_start3A_119 = tpu.memref_slice %arg8[%dma_start3A_118] : memref<10000xi32, #tpu.memory_space<vmem>> -> memref<10000xi32, #tpu.memory_space<vmem>>
      %dma_start3A_120 = tpu.memref_slice %arg3[%mul3A_17] : memref<320000xi32, #tpu.memory_space<hbm>> -> memref<10000xi32, #tpu.memory_space<hbm>>
      tpu.enqueue_dma source(%dma_start3A_120 : memref<10000xi32, #tpu.memory_space<hbm>>) target(%dma_start3A_119 : memref<10000xi32, #tpu.memory_space<vmem>>) target_semaphore(%run_scoped3A : memref<!tpu.dma_semaphore, #tpu.memory_space<semaphore_mem>>)
      %dma_wait3A_121 = arith.constant 0 : i32
      %dma_wait3A_122 = tpu.memref_slice %arg8[%dma_wait3A_121] : memref<10000xi32, #tpu.memory_space<vmem>> -> memref<10000xi32, #tpu.memory_space<vmem>>
      %dma_wait3A_123 = tpu.memref_slice %arg3[%mul3A_17] : memref<320000xi32, #tpu.memory_space<hbm>> -> memref<10000xi32, #tpu.memory_space<hbm>>
      %dma_wait3A_124 = arith.constant 0 : i32
      %dma_wait3A_125 = tpu.memref_slice %arg8[%dma_wait3A_124] : memref<10000xi32, #tpu.memory_space<vmem>> -> memref<10000xi32, #tpu.memory_space<vmem>>
      %dma_wait3A_126 = tpu.memref_slice %arg3[%mul3A_17] : memref<320000xi32, #tpu.memory_space<hbm>> -> memref<10000xi32, #tpu.memory_space<hbm>>
      tpu.wait_dma2 semaphore(%run_scoped3A : memref<!tpu.dma_semaphore, #tpu.memory_space<semaphore_mem>>) src(%dma_wait3A_126 : memref<10000xi32, #tpu.memory_space<hbm>>) dst(%dma_wait3A_125 : memref<10000xi32, #tpu.memory_space<vmem>>)
      tpu.yield
    }) : () -> ()
    "tpu.region"() ({
      %run_scoped3A = tpu.sem_alloc : memref<!tpu.dma_semaphore, #tpu.memory_space<semaphore_mem>>
      %dma_start3A_115 = arith.constant 0 : i32
      %dma_start3A_116 = tpu.memref_slice %arg9[%dma_start3A_115] : memref<10000xi32, #tpu.memory_space<vmem>> -> memref<10000xi32, #tpu.memory_space<vmem>>
      %dma_start3A_117 = tpu.memref_slice %arg4[%mul3A_17] : memref<320000xi32, #tpu.memory_space<hbm>> -> memref<10000xi32, #tpu.memory_space<hbm>>
      %dma_start3A_118 = arith.constant 0 : i32
      %dma_start3A_119 = tpu.memref_slice %arg9[%dma_start3A_118] : memref<10000xi32, #tpu.memory_space<vmem>> -> memref<10000xi32, #tpu.memory_space<vmem>>
      %dma_start3A_120 = tpu.memref_slice %arg4[%mul3A_17] : memref<320000xi32, #tpu.memory_space<hbm>> -> memref<10000xi32, #tpu.memory_space<hbm>>
      tpu.enqueue_dma source(%dma_start3A_120 : memref<10000xi32, #tpu.memory_space<hbm>>) target(%dma_start3A_119 : memref<10000xi32, #tpu.memory_space<vmem>>) target_semaphore(%run_scoped3A : memref<!tpu.dma_semaphore, #tpu.memory_space<semaphore_mem>>)
      %dma_wait3A_121 = arith.constant 0 : i32
      %dma_wait3A_122 = tpu.memref_slice %arg9[%dma_wait3A_121] : memref<10000xi32, #tpu.memory_space<vmem>> -> memref<10000xi32, #tpu.memory_space<vmem>>
      %dma_wait3A_123 = tpu.memref_slice %arg4[%mul3A_17] : memref<320000xi32, #tpu.memory_space<hbm>> -> memref<10000xi32, #tpu.memory_space<hbm>>
      %dma_wait3A_124 = arith.constant 0 : i32
      %dma_wait3A_125 = tpu.memref_slice %arg9[%dma_wait3A_124] : memref<10000xi32, #tpu.memory_space<vmem>> -> memref<10000xi32, #tpu.memory_space<vmem>>
      %dma_wait3A_126 = tpu.memref_slice %arg4[%mul3A_17] : memref<320000xi32, #tpu.memory_space<hbm>> -> memref<10000xi32, #tpu.memory_space<hbm>>
      tpu.wait_dma2 semaphore(%run_scoped3A : memref<!tpu.dma_semaphore, #tpu.memory_space<semaphore_mem>>) src(%dma_wait3A_126 : memref<10000xi32, #tpu.memory_space<hbm>>) dst(%dma_wait3A_125 : memref<10000xi32, #tpu.memory_space<vmem>>)
      tpu.yield
    }) : () -> ()
    %dma_start3A = arith.constant 0 : i32
    %dma_start3A_18 = tpu.memref_slice %arg8[%dma_start3A] : memref<10000xi32, #tpu.memory_space<vmem>> -> memref<80xi32, #tpu.memory_space<vmem>>
    %dma_start3A_19 = arith.constant 0 : i32
    %dma_start3A_20 = arith.constant 0 : i32
    %dma_start3A_21 = tpu.memref_slice %arg2[%dma_start3A_19, %dma_start3A_20] : memref<10000x128xf32, #tpu.memory_space<hbm>> -> memref<10000x128xf32, #tpu.memory_space<hbm>>
    tpu.enqueue_indirect_dma source(%dma_start3A_21 : memref<10000x128xf32, #tpu.memory_space<hbm>>) target(%arg10 : memref<80x128xf32, #tpu.memory_space<vmem>>) offsets(%dma_start3A_18 : memref<80xi32, #tpu.memory_space<vmem>>) semaphore(%arg15 : memref<!tpu.dma_semaphore, #tpu.memory_space<semaphore_mem>>)
    %dma_start3A_22 = arith.constant 0 : i32
    %dma_start3A_23 = tpu.memref_slice %arg9[%dma_start3A_22] : memref<10000xi32, #tpu.memory_space<vmem>> -> memref<80xi32, #tpu.memory_space<vmem>>
    %dma_start3A_24 = arith.constant 0 : i32
    %dma_start3A_25 = arith.constant 0 : i32
    %dma_start3A_26 = tpu.memref_slice %arg2[%dma_start3A_24, %dma_start3A_25] : memref<10000x128xf32, #tpu.memory_space<hbm>> -> memref<10000x128xf32, #tpu.memory_space<hbm>>
    tpu.enqueue_indirect_dma source(%dma_start3A_26 : memref<10000x128xf32, #tpu.memory_space<hbm>>) target(%arg11 : memref<80x128xf32, #tpu.memory_space<vmem>>) offsets(%dma_start3A_23 : memref<80xi32, #tpu.memory_space<vmem>>) semaphore(%arg16 : memref<!tpu.dma_semaphore, #tpu.memory_space<semaphore_mem>>)
    %scan3A = arith.constant 0 : i32
    %scan3A_27 = arith.constant 62 : i32
    %scan3A_28 = arith.addi %scan3A, %scan3A_27 : i32
    %scan3A_29 = arith.constant 1 : i32
    %scan3A_30:8 = scf.for %scan3A_115 = %scan3A to %scan3A_28 step %scan3A_29 iter_args(%scan3A_116 = %broadcast_in_dim3A_1, %scan3A_117 = %broadcast_in_dim3A_3, %scan3A_118 = %broadcast_in_dim3A_5, %scan3A_119 = %broadcast_in_dim3A_7, %scan3A_120 = %broadcast_in_dim3A_9, %scan3A_121 = %broadcast_in_dim3A_11, %scan3A_122 = %broadcast_in_dim3A_13, %scan3A_123 = %broadcast_in_dim3A_15) -> (vector<16xf32>, vector<16xf32>, vector<16xf32>, vector<16xf32>, vector<16xf32>, vector<16xf32>, vector<16xf32>, vector<16xf32>)  : i32 {
      %mul3A_124 = arith.constant 2 : i32
      %mul3A_125 = arith.muli %mul3A_124, %scan3A_115 : i32
      %add3A_126 = arith.constant 1 : i32
      %add3A_127 = arith.addi %mul3A_125, %add3A_126 : i32
      %lt3A = arith.constant 125 : i32
      %lt3A_128 = arith.cmpi slt, %add3A_127, %lt3A : i32
      %convert_element_type3A = arith.extui %lt3A_128 : i1 to i32
      %cond3A = arith.constant 0 : i32
      %cond3A_129 = arith.cmpi ne, %convert_element_type3A, %cond3A : i32
      scf.if %cond3A_129 {
        %add3A_169 = arith.constant 1 : i32
        %add3A_170 = arith.addi %mul3A_125, %add3A_169 : i32
        %mul3A_171 = arith.constant 80 : i32
        %mul3A_172 = arith.muli %add3A_170, %mul3A_171 : i32
        %dma_start3A_173 = tpu.memref_slice %arg8[%mul3A_172] : memref<10000xi32, #tpu.memory_space<vmem>> -> memref<80xi32, #tpu.memory_space<vmem>>
        %dma_start3A_174 = arith.constant 0 : i32
        %dma_start3A_175 = arith.constant 0 : i32
        %dma_start3A_176 = tpu.memref_slice %arg2[%dma_start3A_174, %dma_start3A_175] : memref<10000x128xf32, #tpu.memory_space<hbm>> -> memref<10000x128xf32, #tpu.memory_space<hbm>>
        tpu.enqueue_indirect_dma source(%dma_start3A_176 : memref<10000x128xf32, #tpu.memory_space<hbm>>) target(%arg12 : memref<80x128xf32, #tpu.memory_space<vmem>>) offsets(%dma_start3A_173 : memref<80xi32, #tpu.memory_space<vmem>>) semaphore(%arg17 : memref<!tpu.dma_semaphore, #tpu.memory_space<semaphore_mem>>)
        %dma_start3A_177 = tpu.memref_slice %arg9[%mul3A_172] : memref<10000xi32, #tpu.memory_space<vmem>> -> memref<80xi32, #tpu.memory_space<vmem>>
        %dma_start3A_178 = arith.constant 0 : i32
        %dma_start3A_179 = arith.constant 0 : i32
        %dma_start3A_180 = tpu.memref_slice %arg2[%dma_start3A_178, %dma_start3A_179] : memref<10000x128xf32, #tpu.memory_space<hbm>> -> memref<10000x128xf32, #tpu.memory_space<hbm>>
        tpu.enqueue_indirect_dma source(%dma_start3A_180 : memref<10000x128xf32, #tpu.memory_space<hbm>>) target(%arg13 : memref<80x128xf32, #tpu.memory_space<vmem>>) offsets(%dma_start3A_177 : memref<80xi32, #tpu.memory_space<vmem>>) semaphore(%arg18 : memref<!tpu.dma_semaphore, #tpu.memory_space<semaphore_mem>>)
      } else {
      }
      %dma_wait3A_130 = arith.constant 0 : i32
      %dma_wait3A_131 = tpu.memref_slice %arg8[%dma_wait3A_130] : memref<10000xi32, #tpu.memory_space<vmem>> -> memref<80xi32, #tpu.memory_space<vmem>>
      %dma_wait3A_132 = arith.constant 0 : i32
      %dma_wait3A_133 = arith.constant 0 : i32
      %dma_wait3A_134 = tpu.memref_slice %arg2[%dma_wait3A_132, %dma_wait3A_133] : memref<10000x128xf32, #tpu.memory_space<hbm>> -> memref<10000x128xf32, #tpu.memory_space<hbm>>
      tpu.wait_indirect_dma semaphore(%arg15 : memref<!tpu.dma_semaphore, #tpu.memory_space<semaphore_mem>>) src(%dma_wait3A_134 : memref<10000x128xf32, #tpu.memory_space<hbm>>) dst(%arg10 : memref<80x128xf32, #tpu.memory_space<vmem>>)
      %dma_wait3A_135 = arith.constant 0 : i32
      %dma_wait3A_136 = tpu.memref_slice %arg9[%dma_wait3A_135] : memref<10000xi32, #tpu.memory_space<vmem>> -> memref<80xi32, #tpu.memory_space<vmem>>
      %dma_wait3A_137 = arith.constant 0 : i32
      %dma_wait3A_138 = arith.constant 0 : i32
      %dma_wait3A_139 = tpu.memref_slice %arg2[%dma_wait3A_137, %dma_wait3A_138] : memref<10000x128xf32, #tpu.memory_space<hbm>> -> memref<10000x128xf32, #tpu.memory_space<hbm>>
      tpu.wait_indirect_dma semaphore(%arg16 : memref<!tpu.dma_semaphore, #tpu.memory_space<semaphore_mem>>) src(%dma_wait3A_139 : memref<10000x128xf32, #tpu.memory_space<hbm>>) dst(%arg11 : memref<80x128xf32, #tpu.memory_space<vmem>>)
      %scan3A_140 = arith.constant 0 : i32
      %scan3A_141 = arith.constant 80 : i32
      %scan3A_142 = arith.addi %scan3A_140, %scan3A_141 : i32
      %scan3A_143 = arith.constant 1 : i32
      %scan3A_144:8 = scf.for %scan3A_169 = %scan3A_140 to %scan3A_142 step %scan3A_143 iter_args(%scan3A_170 = %scan3A_116, %scan3A_171 = %scan3A_117, %scan3A_172 = %scan3A_118, %scan3A_173 = %scan3A_119, %scan3A_174 = %scan3A_120, %scan3A_175 = %scan3A_121, %scan3A_176 = %scan3A_122, %scan3A_177 = %scan3A_123) -> (vector<16xf32>, vector<16xf32>, vector<16xf32>, vector<16xf32>, vector<16xf32>, vector<16xf32>, vector<16xf32>, vector<16xf32>)  : i32 {
        %get3A = arith.index_cast %scan3A_169 : i32 to index
        %get3A_178 = arith.constant 0 : index
        %get3A_179 = tpu.vector_load %arg10[%get3A, %get3A_178] {strides = array<i32>} : memref<80x128xf32, #tpu.memory_space<vmem>>, vector<1x16xf32>,
        %get3A_180 = vector.shape_cast %get3A_179 : vector<1x16xf32> to vector<16xf32>
        %get3A_181 = arith.index_cast %scan3A_169 : i32 to index
        %get3A_182 = arith.constant 0 : index
        %get3A_183 = tpu.vector_load %arg11[%get3A_181, %get3A_182] {strides = array<i32>} : memref<80x128xf32, #tpu.memory_space<vmem>>, vector<1x16xf32>,
        %get3A_184 = vector.shape_cast %get3A_183 : vector<1x16xf32> to vector<16xf32>
        %mul3A_185 = arith.mulf %get3A_180, %get3A_184 : vector<16xf32>
        %add3A_186 = arith.addf %scan3A_170, %mul3A_185 : vector<16xf32>
        %get3A_187 = arith.index_cast %scan3A_169 : i32 to index
        %get3A_188 = arith.constant 16 : index
        %get3A_189 = tpu.vector_load %arg10[%get3A_187, %get3A_188] {strides = array<i32>} : memref<80x128xf32, #tpu.memory_space<vmem>>, vector<1x16xf32>,
        %get3A_190 = vector.shape_cast %get3A_189 : vector<1x16xf32> to vector<16xf32>
        %get3A_191 = arith.index_cast %scan3A_169 : i32 to index
        %get3A_192 = arith.constant 16 : index
        %get3A_193 = tpu.vector_load %arg11[%get3A_191, %get3A_192] {strides = array<i32>} : memref<80x128xf32, #tpu.memory_space<vmem>>, vector<1x16xf32>,
        %get3A_194 = vector.shape_cast %get3A_193 : vector<1x16xf32> to vector<16xf32>
        %mul3A_195 = arith.mulf %get3A_190, %get3A_194 : vector<16xf32>
        %add3A_196 = arith.addf %scan3A_171, %mul3A_195 : vector<16xf32>
        %get3A_197 = arith.index_cast %scan3A_169 : i32 to index
        %get3A_198 = arith.constant 32 : index
        %get3A_199 = tpu.vector_load %arg10[%get3A_197, %get3A_198] {strides = array<i32>} : memref<80x128xf32, #tpu.memory_space<vmem>>, vector<1x16xf32>,
        %get3A_200 = vector.shape_cast %get3A_199 : vector<1x16xf32> to vector<16xf32>
        %get3A_201 = arith.index_cast %scan3A_169 : i32 to index
        %get3A_202 = arith.constant 32 : index
        %get3A_203 = tpu.vector_load %arg11[%get3A_201, %get3A_202] {strides = array<i32>} : memref<80x128xf32, #tpu.memory_space<vmem>>, vector<1x16xf32>,
        %get3A_204 = vector.shape_cast %get3A_203 : vector<1x16xf32> to vector<16xf32>
        %mul3A_205 = arith.mulf %get3A_200, %get3A_204 : vector<16xf32>
        %add3A_206 = arith.addf %scan3A_172, %mul3A_205 : vector<16xf32>
        %get3A_207 = arith.index_cast %scan3A_169 : i32 to index
        %get3A_208 = arith.constant 48 : index
        %get3A_209 = tpu.vector_load %arg10[%get3A_207, %get3A_208] {strides = array<i32>} : memref<80x128xf32, #tpu.memory_space<vmem>>, vector<1x16xf32>,
        %get3A_210 = vector.shape_cast %get3A_209 : vector<1x16xf32> to vector<16xf32>
        %get3A_211 = arith.index_cast %scan3A_169 : i32 to index
        %get3A_212 = arith.constant 48 : index
        %get3A_213 = tpu.vector_load %arg11[%get3A_211, %get3A_212] {strides = array<i32>} : memref<80x128xf32, #tpu.memory_space<vmem>>, vector<1x16xf32>,
        %get3A_214 = vector.shape_cast %get3A_213 : vector<1x16xf32> to vector<16xf32>
        %mul3A_215 = arith.mulf %get3A_210, %get3A_214 : vector<16xf32>
        %add3A_216 = arith.addf %scan3A_173, %mul3A_215 : vector<16xf32>
        %get3A_217 = arith.index_cast %scan3A_169 : i32 to index
        %get3A_218 = arith.constant 64 : index
        %get3A_219 = tpu.vector_load %arg10[%get3A_217, %get3A_218] {strides = array<i32>} : memref<80x128xf32, #tpu.memory_space<vmem>>, vector<1x16xf32>,
        %get3A_220 = vector.shape_cast %get3A_219 : vector<1x16xf32> to vector<16xf32>
        %get3A_221 = arith.index_cast %scan3A_169 : i32 to index
        %get3A_222 = arith.constant 64 : index
        %get3A_223 = tpu.vector_load %arg11[%get3A_221, %get3A_222] {strides = array<i32>} : memref<80x128xf32, #tpu.memory_space<vmem>>, vector<1x16xf32>,
        %get3A_224 = vector.shape_cast %get3A_223 : vector<1x16xf32> to vector<16xf32>
        %mul3A_225 = arith.mulf %get3A_220, %get3A_224 : vector<16xf32>
        %add3A_226 = arith.addf %scan3A_174, %mul3A_225 : vector<16xf32>
        %get3A_227 = arith.index_cast %scan3A_169 : i32 to index
        %get3A_228 = arith.constant 80 : index
        %get3A_229 = tpu.vector_load %arg10[%get3A_227, %get3A_228] {strides = array<i32>} : memref<80x128xf32, #tpu.memory_space<vmem>>, vector<1x16xf32>,
        %get3A_230 = vector.shape_cast %get3A_229 : vector<1x16xf32> to vector<16xf32>
        %get3A_231 = arith.index_cast %scan3A_169 : i32 to index
        %get3A_232 = arith.constant 80 : index
        %get3A_233 = tpu.vector_load %arg11[%get3A_231, %get3A_232] {strides = array<i32>} : memref<80x128xf32, #tpu.memory_space<vmem>>, vector<1x16xf32>,
        %get3A_234 = vector.shape_cast %get3A_233 : vector<1x16xf32> to vector<16xf32>
        %mul3A_235 = arith.mulf %get3A_230, %get3A_234 : vector<16xf32>
        %add3A_236 = arith.addf %scan3A_175, %mul3A_235 : vector<16xf32>
        %get3A_237 = arith.index_cast %scan3A_169 : i32 to index
        %get3A_238 = arith.constant 96 : index
        %get3A_239 = tpu.vector_load %arg10[%get3A_237, %get3A_238] {strides = array<i32>} : memref<80x128xf32, #tpu.memory_space<vmem>>, vector<1x16xf32>,
        %get3A_240 = vector.shape_cast %get3A_239 : vector<1x16xf32> to vector<16xf32>
        %get3A_241 = arith.index_cast %scan3A_169 : i32 to index
        %get3A_242 = arith.constant 96 : index
        %get3A_243 = tpu.vector_load %arg11[%get3A_241, %get3A_242] {strides = array<i32>} : memref<80x128xf32, #tpu.memory_space<vmem>>, vector<1x16xf32>,
        %get3A_244 = vector.shape_cast %get3A_243 : vector<1x16xf32> to vector<16xf32>
        %mul3A_245 = arith.mulf %get3A_240, %get3A_244 : vector<16xf32>
        %add3A_246 = arith.addf %scan3A_176, %mul3A_245 : vector<16xf32>
        %get3A_247 = arith.index_cast %scan3A_169 : i32 to index
        %get3A_248 = arith.constant 112 : index
        %get3A_249 = tpu.vector_load %arg10[%get3A_247, %get3A_248] {strides = array<i32>} : memref<80x128xf32, #tpu.memory_space<vmem>>, vector<1x16xf32>,
        %get3A_250 = vector.shape_cast %get3A_249 : vector<1x16xf32> to vector<16xf32>
        %get3A_251 = arith.index_cast %scan3A_169 : i32 to index
        %get3A_252 = arith.constant 112 : index
        %get3A_253 = tpu.vector_load %arg11[%get3A_251, %get3A_252] {strides = array<i32>} : memref<80x128xf32, #tpu.memory_space<vmem>>, vector<1x16xf32>,
        %get3A_254 = vector.shape_cast %get3A_253 : vector<1x16xf32> to vector<16xf32>
        %mul3A_255 = arith.mulf %get3A_250, %get3A_254 : vector<16xf32>
        %add3A_256 = arith.addf %scan3A_177, %mul3A_255 : vector<16xf32>
        scf.yield %add3A_186, %add3A_196, %add3A_206, %add3A_216, %add3A_226, %add3A_236, %add3A_246, %add3A_256 : vector<16xf32>, vector<16xf32>, vector<16xf32>, vector<16xf32>, vector<16xf32>, vector<16xf32>, vector<16xf32>, vector<16xf32>
      }
      %scan3A_145 = arith.constant 80 : i32
      %add3A_146 = arith.constant 2 : i32
      %add3A_147 = arith.addi %mul3A_125, %add3A_146 : i32
      %lt3A_148 = arith.constant 125 : i32
      %lt3A_149 = arith.cmpi slt, %add3A_147, %lt3A_148 : i32
      %convert_element_type3A_150 = arith.extui %lt3A_149 : i1 to i32
      %cond3A_151 = arith.constant 0 : i32
      %cond3A_152 = arith.cmpi ne, %convert_element_type3A_150, %cond3A_151 : i32
      scf.if %cond3A_152 {
        %add3A_169 = arith.constant 2 : i32
        %add3A_170 = arith.addi %mul3A_125, %add3A_169 : i32
        %mul3A_171 = arith.constant 80 : i32
        %mul3A_172 = arith.muli %add3A_170, %mul3A_171 : i32
        %dma_start3A_173 = tpu.memref_slice %arg8[%mul3A_172] : memref<10000xi32, #tpu.memory_space<vmem>> -> memref<80xi32, #tpu.memory_space<vmem>>
        %dma_start3A_174 = arith.constant 0 : i32
        %dma_start3A_175 = arith.constant 0 : i32
        %dma_start3A_176 = tpu.memref_slice %arg2[%dma_start3A_174, %dma_start3A_175] : memref<10000x128xf32, #tpu.memory_space<hbm>> -> memref<10000x128xf32, #tpu.memory_space<hbm>>
        tpu.enqueue_indirect_dma source(%dma_start3A_176 : memref<10000x128xf32, #tpu.memory_space<hbm>>) target(%arg10 : memref<80x128xf32, #tpu.memory_space<vmem>>) offsets(%dma_start3A_173 : memref<80xi32, #tpu.memory_space<vmem>>) semaphore(%arg15 : memref<!tpu.dma_semaphore, #tpu.memory_space<semaphore_mem>>)
        %dma_start3A_177 = tpu.memref_slice %arg9[%mul3A_172] : memref<10000xi32, #tpu.memory_space<vmem>> -> memref<80xi32, #tpu.memory_space<vmem>>
        %dma_start3A_178 = arith.constant 0 : i32
        %dma_start3A_179 = arith.constant 0 : i32
        %dma_start3A_180 = tpu.memref_slice %arg2[%dma_start3A_178, %dma_start3A_179] : memref<10000x128xf32, #tpu.memory_space<hbm>> -> memref<10000x128xf32, #tpu.memory_space<hbm>>
        tpu.enqueue_indirect_dma source(%dma_start3A_180 : memref<10000x128xf32, #tpu.memory_space<hbm>>) target(%arg11 : memref<80x128xf32, #tpu.memory_space<vmem>>) offsets(%dma_start3A_177 : memref<80xi32, #tpu.memory_space<vmem>>) semaphore(%arg16 : memref<!tpu.dma_semaphore, #tpu.memory_space<semaphore_mem>>)
      } else {
      }
      %dma_wait3A_153 = arith.constant 0 : i32
      %dma_wait3A_154 = tpu.memref_slice %arg8[%dma_wait3A_153] : memref<10000xi32, #tpu.memory_space<vmem>> -> memref<80xi32, #tpu.memory_space<vmem>>
      %dma_wait3A_155 = arith.constant 0 : i32
      %dma_wait3A_156 = arith.constant 0 : i32
      %dma_wait3A_157 = tpu.memref_slice %arg2[%dma_wait3A_155, %dma_wait3A_156] : memref<10000x128xf32, #tpu.memory_space<hbm>> -> memref<10000x128xf32, #tpu.memory_space<hbm>>
      tpu.wait_indirect_dma semaphore(%arg17 : memref<!tpu.dma_semaphore, #tpu.memory_space<semaphore_mem>>) src(%dma_wait3A_157 : memref<10000x128xf32, #tpu.memory_space<hbm>>) dst(%arg12 : memref<80x128xf32, #tpu.memory_space<vmem>>)
      %dma_wait3A_158 = arith.constant 0 : i32
      %dma_wait3A_159 = tpu.memref_slice %arg9[%dma_wait3A_158] : memref<10000xi32, #tpu.memory_space<vmem>> -> memref<80xi32, #tpu.memory_space<vmem>>
      %dma_wait3A_160 = arith.constant 0 : i32
      %dma_wait3A_161 = arith.constant 0 : i32
      %dma_wait3A_162 = tpu.memref_slice %arg2[%dma_wait3A_160, %dma_wait3A_161] : memref<10000x128xf32, #tpu.memory_space<hbm>> -> memref<10000x128xf32, #tpu.memory_space<hbm>>
      tpu.wait_indirect_dma semaphore(%arg18 : memref<!tpu.dma_semaphore, #tpu.memory_space<semaphore_mem>>) src(%dma_wait3A_162 : memref<10000x128xf32, #tpu.memory_space<hbm>>) dst(%arg13 : memref<80x128xf32, #tpu.memory_space<vmem>>)
      %scan3A_163 = arith.constant 0 : i32
      %scan3A_164 = arith.constant 80 : i32
      %scan3A_165 = arith.addi %scan3A_163, %scan3A_164 : i32
      %scan3A_166 = arith.constant 1 : i32
      %scan3A_167:8 = scf.for %scan3A_169 = %scan3A_163 to %scan3A_165 step %scan3A_166 iter_args(%scan3A_170 = %scan3A_144#0, %scan3A_171 = %scan3A_144#1, %scan3A_172 = %scan3A_144#2, %scan3A_173 = %scan3A_144#3, %scan3A_174 = %scan3A_144#4, %scan3A_175 = %scan3A_144#5, %scan3A_176 = %scan3A_144#6, %scan3A_177 = %scan3A_144#7) -> (vector<16xf32>, vector<16xf32>, vector<16xf32>, vector<16xf32>, vector<16xf32>, vector<16xf32>, vector<16xf32>, vector<16xf32>)  : i32 {
        %get3A = arith.index_cast %scan3A_169 : i32 to index
        %get3A_178 = arith.constant 0 : index
        %get3A_179 = tpu.vector_load %arg12[%get3A, %get3A_178] {strides = array<i32>} : memref<80x128xf32, #tpu.memory_space<vmem>>, vector<1x16xf32>,
        %get3A_180 = vector.shape_cast %get3A_179 : vector<1x16xf32> to vector<16xf32>
        %get3A_181 = arith.index_cast %scan3A_169 : i32 to index
        %get3A_182 = arith.constant 0 : index
        %get3A_183 = tpu.vector_load %arg13[%get3A_181, %get3A_182] {strides = array<i32>} : memref<80x128xf32, #tpu.memory_space<vmem>>, vector<1x16xf32>,
        %get3A_184 = vector.shape_cast %get3A_183 : vector<1x16xf32> to vector<16xf32>
        %mul3A_185 = arith.mulf %get3A_180, %get3A_184 : vector<16xf32>
        %add3A_186 = arith.addf %scan3A_170, %mul3A_185 : vector<16xf32>
        %get3A_187 = arith.index_cast %scan3A_169 : i32 to index
        %get3A_188 = arith.constant 16 : index
        %get3A_189 = tpu.vector_load %arg12[%get3A_187, %get3A_188] {strides = array<i32>} : memref<80x128xf32, #tpu.memory_space<vmem>>, vector<1x16xf32>,
        %get3A_190 = vector.shape_cast %get3A_189 : vector<1x16xf32> to vector<16xf32>
        %get3A_191 = arith.index_cast %scan3A_169 : i32 to index
        %get3A_192 = arith.constant 16 : index
        %get3A_193 = tpu.vector_load %arg13[%get3A_191, %get3A_192] {strides = array<i32>} : memref<80x128xf32, #tpu.memory_space<vmem>>, vector<1x16xf32>,
        %get3A_194 = vector.shape_cast %get3A_193 : vector<1x16xf32> to vector<16xf32>
        %mul3A_195 = arith.mulf %get3A_190, %get3A_194 : vector<16xf32>
        %add3A_196 = arith.addf %scan3A_171, %mul3A_195 : vector<16xf32>
        %get3A_197 = arith.index_cast %scan3A_169 : i32 to index
        %get3A_198 = arith.constant 32 : index
        %get3A_199 = tpu.vector_load %arg12[%get3A_197, %get3A_198] {strides = array<i32>} : memref<80x128xf32, #tpu.memory_space<vmem>>, vector<1x16xf32>,
        %get3A_200 = vector.shape_cast %get3A_199 : vector<1x16xf32> to vector<16xf32>
        %get3A_201 = arith.index_cast %scan3A_169 : i32 to index
        %get3A_202 = arith.constant 32 : index
        %get3A_203 = tpu.vector_load %arg13[%get3A_201, %get3A_202] {strides = array<i32>} : memref<80x128xf32, #tpu.memory_space<vmem>>, vector<1x16xf32>,
        %get3A_204 = vector.shape_cast %get3A_203 : vector<1x16xf32> to vector<16xf32>
        %mul3A_205 = arith.mulf %get3A_200, %get3A_204 : vector<16xf32>
        %add3A_206 = arith.addf %scan3A_172, %mul3A_205 : vector<16xf32>
        %get3A_207 = arith.index_cast %scan3A_169 : i32 to index
        %get3A_208 = arith.constant 48 : index
        %get3A_209 = tpu.vector_load %arg12[%get3A_207, %get3A_208] {strides = array<i32>} : memref<80x128xf32, #tpu.memory_space<vmem>>, vector<1x16xf32>,
        %get3A_210 = vector.shape_cast %get3A_209 : vector<1x16xf32> to vector<16xf32>
        %get3A_211 = arith.index_cast %scan3A_169 : i32 to index
        %get3A_212 = arith.constant 48 : index
        %get3A_213 = tpu.vector_load %arg13[%get3A_211, %get3A_212] {strides = array<i32>} : memref<80x128xf32, #tpu.memory_space<vmem>>, vector<1x16xf32>,
        %get3A_214 = vector.shape_cast %get3A_213 : vector<1x16xf32> to vector<16xf32>
        %mul3A_215 = arith.mulf %get3A_210, %get3A_214 : vector<16xf32>
        %add3A_216 = arith.addf %scan3A_173, %mul3A_215 : vector<16xf32>
        %get3A_217 = arith.index_cast %scan3A_169 : i32 to index
        %get3A_218 = arith.constant 64 : index
        %get3A_219 = tpu.vector_load %arg12[%get3A_217, %get3A_218] {strides = array<i32>} : memref<80x128xf32, #tpu.memory_space<vmem>>, vector<1x16xf32>,
        %get3A_220 = vector.shape_cast %get3A_219 : vector<1x16xf32> to vector<16xf32>
        %get3A_221 = arith.index_cast %scan3A_169 : i32 to index
        %get3A_222 = arith.constant 64 : index
        %get3A_223 = tpu.vector_load %arg13[%get3A_221, %get3A_222] {strides = array<i32>} : memref<80x128xf32, #tpu.memory_space<vmem>>, vector<1x16xf32>,
        %get3A_224 = vector.shape_cast %get3A_223 : vector<1x16xf32> to vector<16xf32>
        %mul3A_225 = arith.mulf %get3A_220, %get3A_224 : vector<16xf32>
        %add3A_226 = arith.addf %scan3A_174, %mul3A_225 : vector<16xf32>
        %get3A_227 = arith.index_cast %scan3A_169 : i32 to index
        %get3A_228 = arith.constant 80 : index
        %get3A_229 = tpu.vector_load %arg12[%get3A_227, %get3A_228] {strides = array<i32>} : memref<80x128xf32, #tpu.memory_space<vmem>>, vector<1x16xf32>,
        %get3A_230 = vector.shape_cast %get3A_229 : vector<1x16xf32> to vector<16xf32>
        %get3A_231 = arith.index_cast %scan3A_169 : i32 to index
        %get3A_232 = arith.constant 80 : index
        %get3A_233 = tpu.vector_load %arg13[%get3A_231, %get3A_232] {strides = array<i32>} : memref<80x128xf32, #tpu.memory_space<vmem>>, vector<1x16xf32>,
        %get3A_234 = vector.shape_cast %get3A_233 : vector<1x16xf32> to vector<16xf32>
        %mul3A_235 = arith.mulf %get3A_230, %get3A_234 : vector<16xf32>
        %add3A_236 = arith.addf %scan3A_175, %mul3A_235 : vector<16xf32>
        %get3A_237 = arith.index_cast %scan3A_169 : i32 to index
        %get3A_238 = arith.constant 96 : index
        %get3A_239 = tpu.vector_load %arg12[%get3A_237, %get3A_238] {strides = array<i32>} : memref<80x128xf32, #tpu.memory_space<vmem>>, vector<1x16xf32>,
        %get3A_240 = vector.shape_cast %get3A_239 : vector<1x16xf32> to vector<16xf32>
        %get3A_241 = arith.index_cast %scan3A_169 : i32 to index
        %get3A_242 = arith.constant 96 : index
        %get3A_243 = tpu.vector_load %arg13[%get3A_241, %get3A_242] {strides = array<i32>} : memref<80x128xf32, #tpu.memory_space<vmem>>, vector<1x16xf32>,
        %get3A_244 = vector.shape_cast %get3A_243 : vector<1x16xf32> to vector<16xf32>
        %mul3A_245 = arith.mulf %get3A_240, %get3A_244 : vector<16xf32>
        %add3A_246 = arith.addf %scan3A_176, %mul3A_245 : vector<16xf32>
        %get3A_247 = arith.index_cast %scan3A_169 : i32 to index
        %get3A_248 = arith.constant 112 : index
        %get3A_249 = tpu.vector_load %arg12[%get3A_247, %get3A_248] {strides = array<i32>} : memref<80x128xf32, #tpu.memory_space<vmem>>, vector<1x16xf32>,
        %get3A_250 = vector.shape_cast %get3A_249 : vector<1x16xf32> to vector<16xf32>
        %get3A_251 = arith.index_cast %scan3A_169 : i32 to index
        %get3A_252 = arith.constant 112 : index
        %get3A_253 = tpu.vector_load %arg13[%get3A_251, %get3A_252] {strides = array<i32>} : memref<80x128xf32, #tpu.memory_space<vmem>>, vector<1x16xf32>,
        %get3A_254 = vector.shape_cast %get3A_253 : vector<1x16xf32> to vector<16xf32>
        %mul3A_255 = arith.mulf %get3A_250, %get3A_254 : vector<16xf32>
        %add3A_256 = arith.addf %scan3A_177, %mul3A_255 : vector<16xf32>
        scf.yield %add3A_186, %add3A_196, %add3A_206, %add3A_216, %add3A_226, %add3A_236, %add3A_246, %add3A_256 : vector<16xf32>, vector<16xf32>, vector<16xf32>, vector<16xf32>, vector<16xf32>, vector<16xf32>, vector<16xf32>, vector<16xf32>
      }
      %scan3A_168 = arith.constant 80 : i32
      scf.yield %scan3A_167#0, %scan3A_167#1, %scan3A_167#2, %scan3A_167#3, %scan3A_167#4, %scan3A_167#5, %scan3A_167#6, %scan3A_167#7 : vector<16xf32>, vector<16xf32>, vector<16xf32>, vector<16xf32>, vector<16xf32>, vector<16xf32>, vector<16xf32>, vector<16xf32>
    }
    %scan3A_31 = arith.constant 62 : i32
    %dma_wait3A = arith.constant 0 : i32
    %dma_wait3A_32 = tpu.memref_slice %arg8[%dma_wait3A] : memref<10000xi32, #tpu.memory_space<vmem>> -> memref<80xi32, #tpu.memory_space<vmem>>
    %dma_wait3A_33 = arith.constant 0 : i32
    %dma_wait3A_34 = arith.constant 0 : i32
    %dma_wait3A_35 = tpu.memref_slice %arg2[%dma_wait3A_33, %dma_wait3A_34] : memref<10000x128xf32, #tpu.memory_space<hbm>> -> memref<10000x128xf32, #tpu.memory_space<hbm>>
    tpu.wait_indirect_dma semaphore(%arg15 : memref<!tpu.dma_semaphore, #tpu.memory_space<semaphore_mem>>) src(%dma_wait3A_35 : memref<10000x128xf32, #tpu.memory_space<hbm>>) dst(%arg10 : memref<80x128xf32, #tpu.memory_space<vmem>>)
    %dma_wait3A_36 = arith.constant 0 : i32
    %dma_wait3A_37 = tpu.memref_slice %arg9[%dma_wait3A_36] : memref<10000xi32, #tpu.memory_space<vmem>> -> memref<80xi32, #tpu.memory_space<vmem>>
    %dma_wait3A_38 = arith.constant 0 : i32
    %dma_wait3A_39 = arith.constant 0 : i32
    %dma_wait3A_40 = tpu.memref_slice %arg2[%dma_wait3A_38, %dma_wait3A_39] : memref<10000x128xf32, #tpu.memory_space<hbm>> -> memref<10000x128xf32, #tpu.memory_space<hbm>>
    tpu.wait_indirect_dma semaphore(%arg16 : memref<!tpu.dma_semaphore, #tpu.memory_space<semaphore_mem>>) src(%dma_wait3A_40 : memref<10000x128xf32, #tpu.memory_space<hbm>>) dst(%arg11 : memref<80x128xf32, #tpu.memory_space<vmem>>)
    %scan3A_41 = arith.constant 0 : i32
    %scan3A_42 = arith.constant 80 : i32
    %scan3A_43 = arith.addi %scan3A_41, %scan3A_42 : i32
    %scan3A_44 = arith.constant 1 : i32
    %scan3A_45:8 = scf.for %scan3A_115 = %scan3A_41 to %scan3A_43 step %scan3A_44 iter_args(%scan3A_116 = %scan3A_30#0, %scan3A_117 = %scan3A_30#1, %scan3A_118 = %scan3A_30#2, %scan3A_119 = %scan3A_30#3, %scan3A_120 = %scan3A_30#4, %scan3A_121 = %scan3A_30#5, %scan3A_122 = %scan3A_30#6, %scan3A_123 = %scan3A_30#7) -> (vector<16xf32>, vector<16xf32>, vector<16xf32>, vector<16xf32>, vector<16xf32>, vector<16xf32>, vector<16xf32>, vector<16xf32>)  : i32 {
      %get3A = arith.index_cast %scan3A_115 : i32 to index
      %get3A_124 = arith.constant 0 : index
      %get3A_125 = tpu.vector_load %arg10[%get3A, %get3A_124] {strides = array<i32>} : memref<80x128xf32, #tpu.memory_space<vmem>>, vector<1x16xf32>,
      %get3A_126 = vector.shape_cast %get3A_125 : vector<1x16xf32> to vector<16xf32>
      %get3A_127 = arith.index_cast %scan3A_115 : i32 to index
      %get3A_128 = arith.constant 0 : index
      %get3A_129 = tpu.vector_load %arg11[%get3A_127, %get3A_128] {strides = array<i32>} : memref<80x128xf32, #tpu.memory_space<vmem>>, vector<1x16xf32>,
      %get3A_130 = vector.shape_cast %get3A_129 : vector<1x16xf32> to vector<16xf32>
      %mul3A_131 = arith.mulf %get3A_126, %get3A_130 : vector<16xf32>
      %add3A_132 = arith.addf %scan3A_116, %mul3A_131 : vector<16xf32>
      %get3A_133 = arith.index_cast %scan3A_115 : i32 to index
      %get3A_134 = arith.constant 16 : index
      %get3A_135 = tpu.vector_load %arg10[%get3A_133, %get3A_134] {strides = array<i32>} : memref<80x128xf32, #tpu.memory_space<vmem>>, vector<1x16xf32>,
      %get3A_136 = vector.shape_cast %get3A_135 : vector<1x16xf32> to vector<16xf32>
      %get3A_137 = arith.index_cast %scan3A_115 : i32 to index
      %get3A_138 = arith.constant 16 : index
      %get3A_139 = tpu.vector_load %arg11[%get3A_137, %get3A_138] {strides = array<i32>} : memref<80x128xf32, #tpu.memory_space<vmem>>, vector<1x16xf32>,
      %get3A_140 = vector.shape_cast %get3A_139 : vector<1x16xf32> to vector<16xf32>
      %mul3A_141 = arith.mulf %get3A_136, %get3A_140 : vector<16xf32>
      %add3A_142 = arith.addf %scan3A_117, %mul3A_141 : vector<16xf32>
      %get3A_143 = arith.index_cast %scan3A_115 : i32 to index
      %get3A_144 = arith.constant 32 : index
      %get3A_145 = tpu.vector_load %arg10[%get3A_143, %get3A_144] {strides = array<i32>} : memref<80x128xf32, #tpu.memory_space<vmem>>, vector<1x16xf32>,
      %get3A_146 = vector.shape_cast %get3A_145 : vector<1x16xf32> to vector<16xf32>
      %get3A_147 = arith.index_cast %scan3A_115 : i32 to index
      %get3A_148 = arith.constant 32 : index
      %get3A_149 = tpu.vector_load %arg11[%get3A_147, %get3A_148] {strides = array<i32>} : memref<80x128xf32, #tpu.memory_space<vmem>>, vector<1x16xf32>,
      %get3A_150 = vector.shape_cast %get3A_149 : vector<1x16xf32> to vector<16xf32>
      %mul3A_151 = arith.mulf %get3A_146, %get3A_150 : vector<16xf32>
      %add3A_152 = arith.addf %scan3A_118, %mul3A_151 : vector<16xf32>
      %get3A_153 = arith.index_cast %scan3A_115 : i32 to index
      %get3A_154 = arith.constant 48 : index
      %get3A_155 = tpu.vector_load %arg10[%get3A_153, %get3A_154] {strides = array<i32>} : memref<80x128xf32, #tpu.memory_space<vmem>>, vector<1x16xf32>,
      %get3A_156 = vector.shape_cast %get3A_155 : vector<1x16xf32> to vector<16xf32>
      %get3A_157 = arith.index_cast %scan3A_115 : i32 to index
      %get3A_158 = arith.constant 48 : index
      %get3A_159 = tpu.vector_load %arg11[%get3A_157, %get3A_158] {strides = array<i32>} : memref<80x128xf32, #tpu.memory_space<vmem>>, vector<1x16xf32>,
      %get3A_160 = vector.shape_cast %get3A_159 : vector<1x16xf32> to vector<16xf32>
      %mul3A_161 = arith.mulf %get3A_156, %get3A_160 : vector<16xf32>
      %add3A_162 = arith.addf %scan3A_119, %mul3A_161 : vector<16xf32>
      %get3A_163 = arith.index_cast %scan3A_115 : i32 to index
      %get3A_164 = arith.constant 64 : index
      %get3A_165 = tpu.vector_load %arg10[%get3A_163, %get3A_164] {strides = array<i32>} : memref<80x128xf32, #tpu.memory_space<vmem>>, vector<1x16xf32>,
      %get3A_166 = vector.shape_cast %get3A_165 : vector<1x16xf32> to vector<16xf32>
      %get3A_167 = arith.index_cast %scan3A_115 : i32 to index
      %get3A_168 = arith.constant 64 : index
      %get3A_169 = tpu.vector_load %arg11[%get3A_167, %get3A_168] {strides = array<i32>} : memref<80x128xf32, #tpu.memory_space<vmem>>, vector<1x16xf32>,
      %get3A_170 = vector.shape_cast %get3A_169 : vector<1x16xf32> to vector<16xf32>
      %mul3A_171 = arith.mulf %get3A_166, %get3A_170 : vector<16xf32>
      %add3A_172 = arith.addf %scan3A_120, %mul3A_171 : vector<16xf32>
      %get3A_173 = arith.index_cast %scan3A_115 : i32 to index
      %get3A_174 = arith.constant 80 : index
      %get3A_175 = tpu.vector_load %arg10[%get3A_173, %get3A_174] {strides = array<i32>} : memref<80x128xf32, #tpu.memory_space<vmem>>, vector<1x16xf32>,
      %get3A_176 = vector.shape_cast %get3A_175 : vector<1x16xf32> to vector<16xf32>
      %get3A_177 = arith.index_cast %scan3A_115 : i32 to index
      %get3A_178 = arith.constant 80 : index
      %get3A_179 = tpu.vector_load %arg11[%get3A_177, %get3A_178] {strides = array<i32>} : memref<80x128xf32, #tpu.memory_space<vmem>>, vector<1x16xf32>,
      %get3A_180 = vector.shape_cast %get3A_179 : vector<1x16xf32> to vector<16xf32>
      %mul3A_181 = arith.mulf %get3A_176, %get3A_180 : vector<16xf32>
      %add3A_182 = arith.addf %scan3A_121, %mul3A_181 : vector<16xf32>
      %get3A_183 = arith.index_cast %scan3A_115 : i32 to index
      %get3A_184 = arith.constant 96 : index
      %get3A_185 = tpu.vector_load %arg10[%get3A_183, %get3A_184] {strides = array<i32>} : memref<80x128xf32, #tpu.memory_space<vmem>>, vector<1x16xf32>,
      %get3A_186 = vector.shape_cast %get3A_185 : vector<1x16xf32> to vector<16xf32>
      %get3A_187 = arith.index_cast %scan3A_115 : i32 to index
      %get3A_188 = arith.constant 96 : index
      %get3A_189 = tpu.vector_load %arg11[%get3A_187, %get3A_188] {strides = array<i32>} : memref<80x128xf32, #tpu.memory_space<vmem>>, vector<1x16xf32>,
      %get3A_190 = vector.shape_cast %get3A_189 : vector<1x16xf32> to vector<16xf32>
      %mul3A_191 = arith.mulf %get3A_186, %get3A_190 : vector<16xf32>
      %add3A_192 = arith.addf %scan3A_122, %mul3A_191 : vector<16xf32>
      %get3A_193 = arith.index_cast %scan3A_115 : i32 to index
      %get3A_194 = arith.constant 112 : index
      %get3A_195 = tpu.vector_load %arg10[%get3A_193, %get3A_194] {strides = array<i32>} : memref<80x128xf32, #tpu.memory_space<vmem>>, vector<1x16xf32>,
      %get3A_196 = vector.shape_cast %get3A_195 : vector<1x16xf32> to vector<16xf32>
      %get3A_197 = arith.index_cast %scan3A_115 : i32 to index
      %get3A_198 = arith.constant 112 : index
      %get3A_199 = tpu.vector_load %arg11[%get3A_197, %get3A_198] {strides = array<i32>} : memref<80x128xf32, #tpu.memory_space<vmem>>, vector<1x16xf32>,
      %get3A_200 = vector.shape_cast %get3A_199 : vector<1x16xf32> to vector<16xf32>
      %mul3A_201 = arith.mulf %get3A_196, %get3A_200 : vector<16xf32>
      %add3A_202 = arith.addf %scan3A_123, %mul3A_201 : vector<16xf32>
      scf.yield %add3A_132, %add3A_142, %add3A_152, %add3A_162, %add3A_172, %add3A_182, %add3A_192, %add3A_202 : vector<16xf32>, vector<16xf32>, vector<16xf32>, vector<16xf32>, vector<16xf32>, vector<16xf32>, vector<16xf32>, vector<16xf32>
    }
    %scan3A_46 = arith.constant 80 : i32
    %mul3A_47 = arith.constant 10000 : i32
    %mul3A_48 = arith.muli %add3A, %mul3A_47 : i32
    "tpu.region"() ({
      %run_scoped3A = tpu.sem_alloc : memref<!tpu.dma_semaphore, #tpu.memory_space<semaphore_mem>>
      %dma_start3A_115 = arith.constant 0 : i32
      %dma_start3A_116 = tpu.memref_slice %arg8[%dma_start3A_115] : memref<10000xi32, #tpu.memory_space<vmem>> -> memref<10000xi32, #tpu.memory_space<vmem>>
      %dma_start3A_117 = tpu.memref_slice %arg5[%mul3A_48] : memref<320000xi32, #tpu.memory_space<hbm>> -> memref<10000xi32, #tpu.memory_space<hbm>>
      %dma_start3A_118 = arith.constant 0 : i32
      %dma_start3A_119 = tpu.memref_slice %arg8[%dma_start3A_118] : memref<10000xi32, #tpu.memory_space<vmem>> -> memref<10000xi32, #tpu.memory_space<vmem>>
      %dma_start3A_120 = tpu.memref_slice %arg5[%mul3A_48] : memref<320000xi32, #tpu.memory_space<hbm>> -> memref<10000xi32, #tpu.memory_space<hbm>>
      tpu.enqueue_dma source(%dma_start3A_120 : memref<10000xi32, #tpu.memory_space<hbm>>) target(%dma_start3A_119 : memref<10000xi32, #tpu.memory_space<vmem>>) target_semaphore(%run_scoped3A : memref<!tpu.dma_semaphore, #tpu.memory_space<semaphore_mem>>)
      %dma_wait3A_121 = arith.constant 0 : i32
      %dma_wait3A_122 = tpu.memref_slice %arg8[%dma_wait3A_121] : memref<10000xi32, #tpu.memory_space<vmem>> -> memref<10000xi32, #tpu.memory_space<vmem>>
      %dma_wait3A_123 = tpu.memref_slice %arg5[%mul3A_48] : memref<320000xi32, #tpu.memory_space<hbm>> -> memref<10000xi32, #tpu.memory_space<hbm>>
      %dma_wait3A_124 = arith.constant 0 : i32
      %dma_wait3A_125 = tpu.memref_slice %arg8[%dma_wait3A_124] : memref<10000xi32, #tpu.memory_space<vmem>> -> memref<10000xi32, #tpu.memory_space<vmem>>
      %dma_wait3A_126 = tpu.memref_slice %arg5[%mul3A_48] : memref<320000xi32, #tpu.memory_space<hbm>> -> memref<10000xi32, #tpu.memory_space<hbm>>
      tpu.wait_dma2 semaphore(%run_scoped3A : memref<!tpu.dma_semaphore, #tpu.memory_space<semaphore_mem>>) src(%dma_wait3A_126 : memref<10000xi32, #tpu.memory_space<hbm>>) dst(%dma_wait3A_125 : memref<10000xi32, #tpu.memory_space<vmem>>)
      tpu.yield
    }) : () -> ()
    "tpu.region"() ({
      %run_scoped3A = tpu.sem_alloc : memref<!tpu.dma_semaphore, #tpu.memory_space<semaphore_mem>>
      %dma_start3A_115 = arith.constant 0 : i32
      %dma_start3A_116 = tpu.memref_slice %arg9[%dma_start3A_115] : memref<10000xi32, #tpu.memory_space<vmem>> -> memref<10000xi32, #tpu.memory_space<vmem>>
      %dma_start3A_117 = tpu.memref_slice %arg6[%mul3A_48] : memref<320000xi32, #tpu.memory_space<hbm>> -> memref<10000xi32, #tpu.memory_space<hbm>>
      %dma_start3A_118 = arith.constant 0 : i32
      %dma_start3A_119 = tpu.memref_slice %arg9[%dma_start3A_118] : memref<10000xi32, #tpu.memory_space<vmem>> -> memref<10000xi32, #tpu.memory_space<vmem>>
      %dma_start3A_120 = tpu.memref_slice %arg6[%mul3A_48] : memref<320000xi32, #tpu.memory_space<hbm>> -> memref<10000xi32, #tpu.memory_space<hbm>>
      tpu.enqueue_dma source(%dma_start3A_120 : memref<10000xi32, #tpu.memory_space<hbm>>) target(%dma_start3A_119 : memref<10000xi32, #tpu.memory_space<vmem>>) target_semaphore(%run_scoped3A : memref<!tpu.dma_semaphore, #tpu.memory_space<semaphore_mem>>)
      %dma_wait3A_121 = arith.constant 0 : i32
      %dma_wait3A_122 = tpu.memref_slice %arg9[%dma_wait3A_121] : memref<10000xi32, #tpu.memory_space<vmem>> -> memref<10000xi32, #tpu.memory_space<vmem>>
      %dma_wait3A_123 = tpu.memref_slice %arg6[%mul3A_48] : memref<320000xi32, #tpu.memory_space<hbm>> -> memref<10000xi32, #tpu.memory_space<hbm>>
      %dma_wait3A_124 = arith.constant 0 : i32
      %dma_wait3A_125 = tpu.memref_slice %arg9[%dma_wait3A_124] : memref<10000xi32, #tpu.memory_space<vmem>> -> memref<10000xi32, #tpu.memory_space<vmem>>
      %dma_wait3A_126 = tpu.memref_slice %arg6[%mul3A_48] : memref<320000xi32, #tpu.memory_space<hbm>> -> memref<10000xi32, #tpu.memory_space<hbm>>
      tpu.wait_dma2 semaphore(%run_scoped3A : memref<!tpu.dma_semaphore, #tpu.memory_space<semaphore_mem>>) src(%dma_wait3A_126 : memref<10000xi32, #tpu.memory_space<hbm>>) dst(%dma_wait3A_125 : memref<10000xi32, #tpu.memory_space<vmem>>)
      tpu.yield
    }) : () -> ()
    %dma_start3A_49 = arith.constant 0 : i32
    %dma_start3A_50 = tpu.memref_slice %arg8[%dma_start3A_49] : memref<10000xi32, #tpu.memory_space<vmem>> -> memref<80xi32, #tpu.memory_space<vmem>>
    %dma_start3A_51 = arith.constant 0 : i32
    %dma_start3A_52 = arith.constant 0 : i32
    %dma_start3A_53 = tpu.memref_slice %arg2[%dma_start3A_51, %dma_start3A_52] : memref<10000x128xf32, #tpu.memory_space<hbm>> -> memref<10000x128xf32, #tpu.memory_space<hbm>>
    tpu.enqueue_indirect_dma source(%dma_start3A_53 : memref<10000x128xf32, #tpu.memory_space<hbm>>) target(%arg10 : memref<80x128xf32, #tpu.memory_space<vmem>>) offsets(%dma_start3A_50 : memref<80xi32, #tpu.memory_space<vmem>>) semaphore(%arg15 : memref<!tpu.dma_semaphore, #tpu.memory_space<semaphore_mem>>)
    %dma_start3A_54 = arith.constant 0 : i32
    %dma_start3A_55 = tpu.memref_slice %arg9[%dma_start3A_54] : memref<10000xi32, #tpu.memory_space<vmem>> -> memref<80xi32, #tpu.memory_space<vmem>>
    %dma_start3A_56 = arith.constant 0 : i32
    %dma_start3A_57 = arith.constant 0 : i32
    %dma_start3A_58 = tpu.memref_slice %arg2[%dma_start3A_56, %dma_start3A_57] : memref<10000x128xf32, #tpu.memory_space<hbm>> -> memref<10000x128xf32, #tpu.memory_space<hbm>>
    tpu.enqueue_indirect_dma source(%dma_start3A_58 : memref<10000x128xf32, #tpu.memory_space<hbm>>) target(%arg11 : memref<80x128xf32, #tpu.memory_space<vmem>>) offsets(%dma_start3A_55 : memref<80xi32, #tpu.memory_space<vmem>>) semaphore(%arg16 : memref<!tpu.dma_semaphore, #tpu.memory_space<semaphore_mem>>)
    %scan3A_59 = arith.constant 0 : i32
    %scan3A_60 = arith.constant 62 : i32
    %scan3A_61 = arith.addi %scan3A_59, %scan3A_60 : i32
    %scan3A_62 = arith.constant 1 : i32
    %scan3A_63:8 = scf.for %scan3A_115 = %scan3A_59 to %scan3A_61 step %scan3A_62 iter_args(%scan3A_116 = %broadcast_in_dim3A_1, %scan3A_117 = %broadcast_in_dim3A_3, %scan3A_118 = %broadcast_in_dim3A_5, %scan3A_119 = %broadcast_in_dim3A_7, %scan3A_120 = %broadcast_in_dim3A_9, %scan3A_121 = %broadcast_in_dim3A_11, %scan3A_122 = %broadcast_in_dim3A_13, %scan3A_123 = %broadcast_in_dim3A_15) -> (vector<16xf32>, vector<16xf32>, vector<16xf32>, vector<16xf32>, vector<16xf32>, vector<16xf32>, vector<16xf32>, vector<16xf32>)  : i32 {
      %mul3A_124 = arith.constant 2 : i32
      %mul3A_125 = arith.muli %mul3A_124, %scan3A_115 : i32
      %add3A_126 = arith.constant 1 : i32
      %add3A_127 = arith.addi %mul3A_125, %add3A_126 : i32
      %lt3A = arith.constant 125 : i32
      %lt3A_128 = arith.cmpi slt, %add3A_127, %lt3A : i32
      %convert_element_type3A = arith.extui %lt3A_128 : i1 to i32
      %cond3A = arith.constant 0 : i32
      %cond3A_129 = arith.cmpi ne, %convert_element_type3A, %cond3A : i32
      scf.if %cond3A_129 {
        %add3A_169 = arith.constant 1 : i32
        %add3A_170 = arith.addi %mul3A_125, %add3A_169 : i32
        %mul3A_171 = arith.constant 80 : i32
        %mul3A_172 = arith.muli %add3A_170, %mul3A_171 : i32
        %dma_start3A_173 = tpu.memref_slice %arg8[%mul3A_172] : memref<10000xi32, #tpu.memory_space<vmem>> -> memref<80xi32, #tpu.memory_space<vmem>>
        %dma_start3A_174 = arith.constant 0 : i32
        %dma_start3A_175 = arith.constant 0 : i32
        %dma_start3A_176 = tpu.memref_slice %arg2[%dma_start3A_174, %dma_start3A_175] : memref<10000x128xf32, #tpu.memory_space<hbm>> -> memref<10000x128xf32, #tpu.memory_space<hbm>>
        tpu.enqueue_indirect_dma source(%dma_start3A_176 : memref<10000x128xf32, #tpu.memory_space<hbm>>) target(%arg12 : memref<80x128xf32, #tpu.memory_space<vmem>>) offsets(%dma_start3A_173 : memref<80xi32, #tpu.memory_space<vmem>>) semaphore(%arg17 : memref<!tpu.dma_semaphore, #tpu.memory_space<semaphore_mem>>)
        %dma_start3A_177 = tpu.memref_slice %arg9[%mul3A_172] : memref<10000xi32, #tpu.memory_space<vmem>> -> memref<80xi32, #tpu.memory_space<vmem>>
        %dma_start3A_178 = arith.constant 0 : i32
        %dma_start3A_179 = arith.constant 0 : i32
        %dma_start3A_180 = tpu.memref_slice %arg2[%dma_start3A_178, %dma_start3A_179] : memref<10000x128xf32, #tpu.memory_space<hbm>> -> memref<10000x128xf32, #tpu.memory_space<hbm>>
        tpu.enqueue_indirect_dma source(%dma_start3A_180 : memref<10000x128xf32, #tpu.memory_space<hbm>>) target(%arg13 : memref<80x128xf32, #tpu.memory_space<vmem>>) offsets(%dma_start3A_177 : memref<80xi32, #tpu.memory_space<vmem>>) semaphore(%arg18 : memref<!tpu.dma_semaphore, #tpu.memory_space<semaphore_mem>>)
      } else {
      }
      %dma_wait3A_130 = arith.constant 0 : i32
      %dma_wait3A_131 = tpu.memref_slice %arg8[%dma_wait3A_130] : memref<10000xi32, #tpu.memory_space<vmem>> -> memref<80xi32, #tpu.memory_space<vmem>>
      %dma_wait3A_132 = arith.constant 0 : i32
      %dma_wait3A_133 = arith.constant 0 : i32
      %dma_wait3A_134 = tpu.memref_slice %arg2[%dma_wait3A_132, %dma_wait3A_133] : memref<10000x128xf32, #tpu.memory_space<hbm>> -> memref<10000x128xf32, #tpu.memory_space<hbm>>
      tpu.wait_indirect_dma semaphore(%arg15 : memref<!tpu.dma_semaphore, #tpu.memory_space<semaphore_mem>>) src(%dma_wait3A_134 : memref<10000x128xf32, #tpu.memory_space<hbm>>) dst(%arg10 : memref<80x128xf32, #tpu.memory_space<vmem>>)
      %dma_wait3A_135 = arith.constant 0 : i32
      %dma_wait3A_136 = tpu.memref_slice %arg9[%dma_wait3A_135] : memref<10000xi32, #tpu.memory_space<vmem>> -> memref<80xi32, #tpu.memory_space<vmem>>
      %dma_wait3A_137 = arith.constant 0 : i32
      %dma_wait3A_138 = arith.constant 0 : i32
      %dma_wait3A_139 = tpu.memref_slice %arg2[%dma_wait3A_137, %dma_wait3A_138] : memref<10000x128xf32, #tpu.memory_space<hbm>> -> memref<10000x128xf32, #tpu.memory_space<hbm>>
      tpu.wait_indirect_dma semaphore(%arg16 : memref<!tpu.dma_semaphore, #tpu.memory_space<semaphore_mem>>) src(%dma_wait3A_139 : memref<10000x128xf32, #tpu.memory_space<hbm>>) dst(%arg11 : memref<80x128xf32, #tpu.memory_space<vmem>>)
      %scan3A_140 = arith.constant 0 : i32
      %scan3A_141 = arith.constant 80 : i32
      %scan3A_142 = arith.addi %scan3A_140, %scan3A_141 : i32
      %scan3A_143 = arith.constant 1 : i32
      %scan3A_144:8 = scf.for %scan3A_169 = %scan3A_140 to %scan3A_142 step %scan3A_143 iter_args(%scan3A_170 = %scan3A_116, %scan3A_171 = %scan3A_117, %scan3A_172 = %scan3A_118, %scan3A_173 = %scan3A_119, %scan3A_174 = %scan3A_120, %scan3A_175 = %scan3A_121, %scan3A_176 = %scan3A_122, %scan3A_177 = %scan3A_123) -> (vector<16xf32>, vector<16xf32>, vector<16xf32>, vector<16xf32>, vector<16xf32>, vector<16xf32>, vector<16xf32>, vector<16xf32>)  : i32 {
        %get3A = arith.index_cast %scan3A_169 : i32 to index
        %get3A_178 = arith.constant 0 : index
        %get3A_179 = tpu.vector_load %arg10[%get3A, %get3A_178] {strides = array<i32>} : memref<80x128xf32, #tpu.memory_space<vmem>>, vector<1x16xf32>,
        %get3A_180 = vector.shape_cast %get3A_179 : vector<1x16xf32> to vector<16xf32>
        %get3A_181 = arith.index_cast %scan3A_169 : i32 to index
        %get3A_182 = arith.constant 0 : index
        %get3A_183 = tpu.vector_load %arg11[%get3A_181, %get3A_182] {strides = array<i32>} : memref<80x128xf32, #tpu.memory_space<vmem>>, vector<1x16xf32>,
        %get3A_184 = vector.shape_cast %get3A_183 : vector<1x16xf32> to vector<16xf32>
        %mul3A_185 = arith.mulf %get3A_180, %get3A_184 : vector<16xf32>
        %add3A_186 = arith.addf %scan3A_170, %mul3A_185 : vector<16xf32>
        %get3A_187 = arith.index_cast %scan3A_169 : i32 to index
        %get3A_188 = arith.constant 16 : index
        %get3A_189 = tpu.vector_load %arg10[%get3A_187, %get3A_188] {strides = array<i32>} : memref<80x128xf32, #tpu.memory_space<vmem>>, vector<1x16xf32>,
        %get3A_190 = vector.shape_cast %get3A_189 : vector<1x16xf32> to vector<16xf32>
        %get3A_191 = arith.index_cast %scan3A_169 : i32 to index
        %get3A_192 = arith.constant 16 : index
        %get3A_193 = tpu.vector_load %arg11[%get3A_191, %get3A_192] {strides = array<i32>} : memref<80x128xf32, #tpu.memory_space<vmem>>, vector<1x16xf32>,
        %get3A_194 = vector.shape_cast %get3A_193 : vector<1x16xf32> to vector<16xf32>
        %mul3A_195 = arith.mulf %get3A_190, %get3A_194 : vector<16xf32>
        %add3A_196 = arith.addf %scan3A_171, %mul3A_195 : vector<16xf32>
        %get3A_197 = arith.index_cast %scan3A_169 : i32 to index
        %get3A_198 = arith.constant 32 : index
        %get3A_199 = tpu.vector_load %arg10[%get3A_197, %get3A_198] {strides = array<i32>} : memref<80x128xf32, #tpu.memory_space<vmem>>, vector<1x16xf32>,
        %get3A_200 = vector.shape_cast %get3A_199 : vector<1x16xf32> to vector<16xf32>
        %get3A_201 = arith.index_cast %scan3A_169 : i32 to index
        %get3A_202 = arith.constant 32 : index
        %get3A_203 = tpu.vector_load %arg11[%get3A_201, %get3A_202] {strides = array<i32>} : memref<80x128xf32, #tpu.memory_space<vmem>>, vector<1x16xf32>,
        %get3A_204 = vector.shape_cast %get3A_203 : vector<1x16xf32> to vector<16xf32>
        %mul3A_205 = arith.mulf %get3A_200, %get3A_204 : vector<16xf32>
        %add3A_206 = arith.addf %scan3A_172, %mul3A_205 : vector<16xf32>
        %get3A_207 = arith.index_cast %scan3A_169 : i32 to index
        %get3A_208 = arith.constant 48 : index
        %get3A_209 = tpu.vector_load %arg10[%get3A_207, %get3A_208] {strides = array<i32>} : memref<80x128xf32, #tpu.memory_space<vmem>>, vector<1x16xf32>,
        %get3A_210 = vector.shape_cast %get3A_209 : vector<1x16xf32> to vector<16xf32>
        %get3A_211 = arith.index_cast %scan3A_169 : i32 to index
        %get3A_212 = arith.constant 48 : index
        %get3A_213 = tpu.vector_load %arg11[%get3A_211, %get3A_212] {strides = array<i32>} : memref<80x128xf32, #tpu.memory_space<vmem>>, vector<1x16xf32>,
        %get3A_214 = vector.shape_cast %get3A_213 : vector<1x16xf32> to vector<16xf32>
        %mul3A_215 = arith.mulf %get3A_210, %get3A_214 : vector<16xf32>
        %add3A_216 = arith.addf %scan3A_173, %mul3A_215 : vector<16xf32>
        %get3A_217 = arith.index_cast %scan3A_169 : i32 to index
        %get3A_218 = arith.constant 64 : index
        %get3A_219 = tpu.vector_load %arg10[%get3A_217, %get3A_218] {strides = array<i32>} : memref<80x128xf32, #tpu.memory_space<vmem>>, vector<1x16xf32>,
        %get3A_220 = vector.shape_cast %get3A_219 : vector<1x16xf32> to vector<16xf32>
        %get3A_221 = arith.index_cast %scan3A_169 : i32 to index
        %get3A_222 = arith.constant 64 : index
        %get3A_223 = tpu.vector_load %arg11[%get3A_221, %get3A_222] {strides = array<i32>} : memref<80x128xf32, #tpu.memory_space<vmem>>, vector<1x16xf32>,
        %get3A_224 = vector.shape_cast %get3A_223 : vector<1x16xf32> to vector<16xf32>
        %mul3A_225 = arith.mulf %get3A_220, %get3A_224 : vector<16xf32>
        %add3A_226 = arith.addf %scan3A_174, %mul3A_225 : vector<16xf32>
        %get3A_227 = arith.index_cast %scan3A_169 : i32 to index
        %get3A_228 = arith.constant 80 : index
        %get3A_229 = tpu.vector_load %arg10[%get3A_227, %get3A_228] {strides = array<i32>} : memref<80x128xf32, #tpu.memory_space<vmem>>, vector<1x16xf32>,
        %get3A_230 = vector.shape_cast %get3A_229 : vector<1x16xf32> to vector<16xf32>
        %get3A_231 = arith.index_cast %scan3A_169 : i32 to index
        %get3A_232 = arith.constant 80 : index
        %get3A_233 = tpu.vector_load %arg11[%get3A_231, %get3A_232] {strides = array<i32>} : memref<80x128xf32, #tpu.memory_space<vmem>>, vector<1x16xf32>,
        %get3A_234 = vector.shape_cast %get3A_233 : vector<1x16xf32> to vector<16xf32>
        %mul3A_235 = arith.mulf %get3A_230, %get3A_234 : vector<16xf32>
        %add3A_236 = arith.addf %scan3A_175, %mul3A_235 : vector<16xf32>
        %get3A_237 = arith.index_cast %scan3A_169 : i32 to index
        %get3A_238 = arith.constant 96 : index
        %get3A_239 = tpu.vector_load %arg10[%get3A_237, %get3A_238] {strides = array<i32>} : memref<80x128xf32, #tpu.memory_space<vmem>>, vector<1x16xf32>,
        %get3A_240 = vector.shape_cast %get3A_239 : vector<1x16xf32> to vector<16xf32>
        %get3A_241 = arith.index_cast %scan3A_169 : i32 to index
        %get3A_242 = arith.constant 96 : index
        %get3A_243 = tpu.vector_load %arg11[%get3A_241, %get3A_242] {strides = array<i32>} : memref<80x128xf32, #tpu.memory_space<vmem>>, vector<1x16xf32>,
        %get3A_244 = vector.shape_cast %get3A_243 : vector<1x16xf32> to vector<16xf32>
        %mul3A_245 = arith.mulf %get3A_240, %get3A_244 : vector<16xf32>
        %add3A_246 = arith.addf %scan3A_176, %mul3A_245 : vector<16xf32>
        %get3A_247 = arith.index_cast %scan3A_169 : i32 to index
        %get3A_248 = arith.constant 112 : index
        %get3A_249 = tpu.vector_load %arg10[%get3A_247, %get3A_248] {strides = array<i32>} : memref<80x128xf32, #tpu.memory_space<vmem>>, vector<1x16xf32>,
        %get3A_250 = vector.shape_cast %get3A_249 : vector<1x16xf32> to vector<16xf32>
        %get3A_251 = arith.index_cast %scan3A_169 : i32 to index
        %get3A_252 = arith.constant 112 : index
        %get3A_253 = tpu.vector_load %arg11[%get3A_251, %get3A_252] {strides = array<i32>} : memref<80x128xf32, #tpu.memory_space<vmem>>, vector<1x16xf32>,
        %get3A_254 = vector.shape_cast %get3A_253 : vector<1x16xf32> to vector<16xf32>
        %mul3A_255 = arith.mulf %get3A_250, %get3A_254 : vector<16xf32>
        %add3A_256 = arith.addf %scan3A_177, %mul3A_255 : vector<16xf32>
        scf.yield %add3A_186, %add3A_196, %add3A_206, %add3A_216, %add3A_226, %add3A_236, %add3A_246, %add3A_256 : vector<16xf32>, vector<16xf32>, vector<16xf32>, vector<16xf32>, vector<16xf32>, vector<16xf32>, vector<16xf32>, vector<16xf32>
      }
      %scan3A_145 = arith.constant 80 : i32
      %add3A_146 = arith.constant 2 : i32
      %add3A_147 = arith.addi %mul3A_125, %add3A_146 : i32
      %lt3A_148 = arith.constant 125 : i32
      %lt3A_149 = arith.cmpi slt, %add3A_147, %lt3A_148 : i32
      %convert_element_type3A_150 = arith.extui %lt3A_149 : i1 to i32
      %cond3A_151 = arith.constant 0 : i32
      %cond3A_152 = arith.cmpi ne, %convert_element_type3A_150, %cond3A_151 : i32
      scf.if %cond3A_152 {
        %add3A_169 = arith.constant 2 : i32
        %add3A_170 = arith.addi %mul3A_125, %add3A_169 : i32
        %mul3A_171 = arith.constant 80 : i32
        %mul3A_172 = arith.muli %add3A_170, %mul3A_171 : i32
        %dma_start3A_173 = tpu.memref_slice %arg8[%mul3A_172] : memref<10000xi32, #tpu.memory_space<vmem>> -> memref<80xi32, #tpu.memory_space<vmem>>
        %dma_start3A_174 = arith.constant 0 : i32
        %dma_start3A_175 = arith.constant 0 : i32
        %dma_start3A_176 = tpu.memref_slice %arg2[%dma_start3A_174, %dma_start3A_175] : memref<10000x128xf32, #tpu.memory_space<hbm>> -> memref<10000x128xf32, #tpu.memory_space<hbm>>
        tpu.enqueue_indirect_dma source(%dma_start3A_176 : memref<10000x128xf32, #tpu.memory_space<hbm>>) target(%arg10 : memref<80x128xf32, #tpu.memory_space<vmem>>) offsets(%dma_start3A_173 : memref<80xi32, #tpu.memory_space<vmem>>) semaphore(%arg15 : memref<!tpu.dma_semaphore, #tpu.memory_space<semaphore_mem>>)
        %dma_start3A_177 = tpu.memref_slice %arg9[%mul3A_172] : memref<10000xi32, #tpu.memory_space<vmem>> -> memref<80xi32, #tpu.memory_space<vmem>>
        %dma_start3A_178 = arith.constant 0 : i32
        %dma_start3A_179 = arith.constant 0 : i32
        %dma_start3A_180 = tpu.memref_slice %arg2[%dma_start3A_178, %dma_start3A_179] : memref<10000x128xf32, #tpu.memory_space<hbm>> -> memref<10000x128xf32, #tpu.memory_space<hbm>>
        tpu.enqueue_indirect_dma source(%dma_start3A_180 : memref<10000x128xf32, #tpu.memory_space<hbm>>) target(%arg11 : memref<80x128xf32, #tpu.memory_space<vmem>>) offsets(%dma_start3A_177 : memref<80xi32, #tpu.memory_space<vmem>>) semaphore(%arg16 : memref<!tpu.dma_semaphore, #tpu.memory_space<semaphore_mem>>)
      } else {
      }
      %dma_wait3A_153 = arith.constant 0 : i32
      %dma_wait3A_154 = tpu.memref_slice %arg8[%dma_wait3A_153] : memref<10000xi32, #tpu.memory_space<vmem>> -> memref<80xi32, #tpu.memory_space<vmem>>
      %dma_wait3A_155 = arith.constant 0 : i32
      %dma_wait3A_156 = arith.constant 0 : i32
      %dma_wait3A_157 = tpu.memref_slice %arg2[%dma_wait3A_155, %dma_wait3A_156] : memref<10000x128xf32, #tpu.memory_space<hbm>> -> memref<10000x128xf32, #tpu.memory_space<hbm>>
      tpu.wait_indirect_dma semaphore(%arg17 : memref<!tpu.dma_semaphore, #tpu.memory_space<semaphore_mem>>) src(%dma_wait3A_157 : memref<10000x128xf32, #tpu.memory_space<hbm>>) dst(%arg12 : memref<80x128xf32, #tpu.memory_space<vmem>>)
      %dma_wait3A_158 = arith.constant 0 : i32
      %dma_wait3A_159 = tpu.memref_slice %arg9[%dma_wait3A_158] : memref<10000xi32, #tpu.memory_space<vmem>> -> memref<80xi32, #tpu.memory_space<vmem>>
      %dma_wait3A_160 = arith.constant 0 : i32
      %dma_wait3A_161 = arith.constant 0 : i32
      %dma_wait3A_162 = tpu.memref_slice %arg2[%dma_wait3A_160, %dma_wait3A_161] : memref<10000x128xf32, #tpu.memory_space<hbm>> -> memref<10000x128xf32, #tpu.memory_space<hbm>>
      tpu.wait_indirect_dma semaphore(%arg18 : memref<!tpu.dma_semaphore, #tpu.memory_space<semaphore_mem>>) src(%dma_wait3A_162 : memref<10000x128xf32, #tpu.memory_space<hbm>>) dst(%arg13 : memref<80x128xf32, #tpu.memory_space<vmem>>)
      %scan3A_163 = arith.constant 0 : i32
      %scan3A_164 = arith.constant 80 : i32
      %scan3A_165 = arith.addi %scan3A_163, %scan3A_164 : i32
      %scan3A_166 = arith.constant 1 : i32
      %scan3A_167:8 = scf.for %scan3A_169 = %scan3A_163 to %scan3A_165 step %scan3A_166 iter_args(%scan3A_170 = %scan3A_144#0, %scan3A_171 = %scan3A_144#1, %scan3A_172 = %scan3A_144#2, %scan3A_173 = %scan3A_144#3, %scan3A_174 = %scan3A_144#4, %scan3A_175 = %scan3A_144#5, %scan3A_176 = %scan3A_144#6, %scan3A_177 = %scan3A_144#7) -> (vector<16xf32>, vector<16xf32>, vector<16xf32>, vector<16xf32>, vector<16xf32>, vector<16xf32>, vector<16xf32>, vector<16xf32>)  : i32 {
        %get3A = arith.index_cast %scan3A_169 : i32 to index
        %get3A_178 = arith.constant 0 : index
        %get3A_179 = tpu.vector_load %arg12[%get3A, %get3A_178] {strides = array<i32>} : memref<80x128xf32, #tpu.memory_space<vmem>>, vector<1x16xf32>,
        %get3A_180 = vector.shape_cast %get3A_179 : vector<1x16xf32> to vector<16xf32>
        %get3A_181 = arith.index_cast %scan3A_169 : i32 to index
        %get3A_182 = arith.constant 0 : index
        %get3A_183 = tpu.vector_load %arg13[%get3A_181, %get3A_182] {strides = array<i32>} : memref<80x128xf32, #tpu.memory_space<vmem>>, vector<1x16xf32>,
        %get3A_184 = vector.shape_cast %get3A_183 : vector<1x16xf32> to vector<16xf32>
        %mul3A_185 = arith.mulf %get3A_180, %get3A_184 : vector<16xf32>
        %add3A_186 = arith.addf %scan3A_170, %mul3A_185 : vector<16xf32>
        %get3A_187 = arith.index_cast %scan3A_169 : i32 to index
        %get3A_188 = arith.constant 16 : index
        %get3A_189 = tpu.vector_load %arg12[%get3A_187, %get3A_188] {strides = array<i32>} : memref<80x128xf32, #tpu.memory_space<vmem>>, vector<1x16xf32>,
        %get3A_190 = vector.shape_cast %get3A_189 : vector<1x16xf32> to vector<16xf32>
        %get3A_191 = arith.index_cast %scan3A_169 : i32 to index
        %get3A_192 = arith.constant 16 : index
        %get3A_193 = tpu.vector_load %arg13[%get3A_191, %get3A_192] {strides = array<i32>} : memref<80x128xf32, #tpu.memory_space<vmem>>, vector<1x16xf32>,
        %get3A_194 = vector.shape_cast %get3A_193 : vector<1x16xf32> to vector<16xf32>
        %mul3A_195 = arith.mulf %get3A_190, %get3A_194 : vector<16xf32>
        %add3A_196 = arith.addf %scan3A_171, %mul3A_195 : vector<16xf32>
        %get3A_197 = arith.index_cast %scan3A_169 : i32 to index
        %get3A_198 = arith.constant 32 : index
        %get3A_199 = tpu.vector_load %arg12[%get3A_197, %get3A_198] {strides = array<i32>} : memref<80x128xf32, #tpu.memory_space<vmem>>, vector<1x16xf32>,
        %get3A_200 = vector.shape_cast %get3A_199 : vector<1x16xf32> to vector<16xf32>
        %get3A_201 = arith.index_cast %scan3A_169 : i32 to index
        %get3A_202 = arith.constant 32 : index
        %get3A_203 = tpu.vector_load %arg13[%get3A_201, %get3A_202] {strides = array<i32>} : memref<80x128xf32, #tpu.memory_space<vmem>>, vector<1x16xf32>,
        %get3A_204 = vector.shape_cast %get3A_203 : vector<1x16xf32> to vector<16xf32>
        %mul3A_205 = arith.mulf %get3A_200, %get3A_204 : vector<16xf32>
        %add3A_206 = arith.addf %scan3A_172, %mul3A_205 : vector<16xf32>
        %get3A_207 = arith.index_cast %scan3A_169 : i32 to index
        %get3A_208 = arith.constant 48 : index
        %get3A_209 = tpu.vector_load %arg12[%get3A_207, %get3A_208] {strides = array<i32>} : memref<80x128xf32, #tpu.memory_space<vmem>>, vector<1x16xf32>,
        %get3A_210 = vector.shape_cast %get3A_209 : vector<1x16xf32> to vector<16xf32>
        %get3A_211 = arith.index_cast %scan3A_169 : i32 to index
        %get3A_212 = arith.constant 48 : index
        %get3A_213 = tpu.vector_load %arg13[%get3A_211, %get3A_212] {strides = array<i32>} : memref<80x128xf32, #tpu.memory_space<vmem>>, vector<1x16xf32>,
        %get3A_214 = vector.shape_cast %get3A_213 : vector<1x16xf32> to vector<16xf32>
        %mul3A_215 = arith.mulf %get3A_210, %get3A_214 : vector<16xf32>
        %add3A_216 = arith.addf %scan3A_173, %mul3A_215 : vector<16xf32>
        %get3A_217 = arith.index_cast %scan3A_169 : i32 to index
        %get3A_218 = arith.constant 64 : index
        %get3A_219 = tpu.vector_load %arg12[%get3A_217, %get3A_218] {strides = array<i32>} : memref<80x128xf32, #tpu.memory_space<vmem>>, vector<1x16xf32>,
        %get3A_220 = vector.shape_cast %get3A_219 : vector<1x16xf32> to vector<16xf32>
        %get3A_221 = arith.index_cast %scan3A_169 : i32 to index
        %get3A_222 = arith.constant 64 : index
        %get3A_223 = tpu.vector_load %arg13[%get3A_221, %get3A_222] {strides = array<i32>} : memref<80x128xf32, #tpu.memory_space<vmem>>, vector<1x16xf32>,
        %get3A_224 = vector.shape_cast %get3A_223 : vector<1x16xf32> to vector<16xf32>
        %mul3A_225 = arith.mulf %get3A_220, %get3A_224 : vector<16xf32>
        %add3A_226 = arith.addf %scan3A_174, %mul3A_225 : vector<16xf32>
        %get3A_227 = arith.index_cast %scan3A_169 : i32 to index
        %get3A_228 = arith.constant 80 : index
        %get3A_229 = tpu.vector_load %arg12[%get3A_227, %get3A_228] {strides = array<i32>} : memref<80x128xf32, #tpu.memory_space<vmem>>, vector<1x16xf32>,
        %get3A_230 = vector.shape_cast %get3A_229 : vector<1x16xf32> to vector<16xf32>
        %get3A_231 = arith.index_cast %scan3A_169 : i32 to index
        %get3A_232 = arith.constant 80 : index
        %get3A_233 = tpu.vector_load %arg13[%get3A_231, %get3A_232] {strides = array<i32>} : memref<80x128xf32, #tpu.memory_space<vmem>>, vector<1x16xf32>,
        %get3A_234 = vector.shape_cast %get3A_233 : vector<1x16xf32> to vector<16xf32>
        %mul3A_235 = arith.mulf %get3A_230, %get3A_234 : vector<16xf32>
        %add3A_236 = arith.addf %scan3A_175, %mul3A_235 : vector<16xf32>
        %get3A_237 = arith.index_cast %scan3A_169 : i32 to index
        %get3A_238 = arith.constant 96 : index
        %get3A_239 = tpu.vector_load %arg12[%get3A_237, %get3A_238] {strides = array<i32>} : memref<80x128xf32, #tpu.memory_space<vmem>>, vector<1x16xf32>,
        %get3A_240 = vector.shape_cast %get3A_239 : vector<1x16xf32> to vector<16xf32>
        %get3A_241 = arith.index_cast %scan3A_169 : i32 to index
        %get3A_242 = arith.constant 96 : index
        %get3A_243 = tpu.vector_load %arg13[%get3A_241, %get3A_242] {strides = array<i32>} : memref<80x128xf32, #tpu.memory_space<vmem>>, vector<1x16xf32>,
        %get3A_244 = vector.shape_cast %get3A_243 : vector<1x16xf32> to vector<16xf32>
        %mul3A_245 = arith.mulf %get3A_240, %get3A_244 : vector<16xf32>
        %add3A_246 = arith.addf %scan3A_176, %mul3A_245 : vector<16xf32>
        %get3A_247 = arith.index_cast %scan3A_169 : i32 to index
        %get3A_248 = arith.constant 112 : index
        %get3A_249 = tpu.vector_load %arg12[%get3A_247, %get3A_248] {strides = array<i32>} : memref<80x128xf32, #tpu.memory_space<vmem>>, vector<1x16xf32>,
        %get3A_250 = vector.shape_cast %get3A_249 : vector<1x16xf32> to vector<16xf32>
        %get3A_251 = arith.index_cast %scan3A_169 : i32 to index
        %get3A_252 = arith.constant 112 : index
        %get3A_253 = tpu.vector_load %arg13[%get3A_251, %get3A_252] {strides = array<i32>} : memref<80x128xf32, #tpu.memory_space<vmem>>, vector<1x16xf32>,
        %get3A_254 = vector.shape_cast %get3A_253 : vector<1x16xf32> to vector<16xf32>
        %mul3A_255 = arith.mulf %get3A_250, %get3A_254 : vector<16xf32>
        %add3A_256 = arith.addf %scan3A_177, %mul3A_255 : vector<16xf32>
        scf.yield %add3A_186, %add3A_196, %add3A_206, %add3A_216, %add3A_226, %add3A_236, %add3A_246, %add3A_256 : vector<16xf32>, vector<16xf32>, vector<16xf32>, vector<16xf32>, vector<16xf32>, vector<16xf32>, vector<16xf32>, vector<16xf32>
      }
      %scan3A_168 = arith.constant 80 : i32
      scf.yield %scan3A_167#0, %scan3A_167#1, %scan3A_167#2, %scan3A_167#3, %scan3A_167#4, %scan3A_167#5, %scan3A_167#6, %scan3A_167#7 : vector<16xf32>, vector<16xf32>, vector<16xf32>, vector<16xf32>, vector<16xf32>, vector<16xf32>, vector<16xf32>, vector<16xf32>
    }
    %scan3A_64 = arith.constant 62 : i32
    %dma_wait3A_65 = arith.constant 0 : i32
    %dma_wait3A_66 = tpu.memref_slice %arg8[%dma_wait3A_65] : memref<10000xi32, #tpu.memory_space<vmem>> -> memref<80xi32, #tpu.memory_space<vmem>>
    %dma_wait3A_67 = arith.constant 0 : i32
    %dma_wait3A_68 = arith.constant 0 : i32
    %dma_wait3A_69 = tpu.memref_slice %arg2[%dma_wait3A_67, %dma_wait3A_68] : memref<10000x128xf32, #tpu.memory_space<hbm>> -> memref<10000x128xf32, #tpu.memory_space<hbm>>
    tpu.wait_indirect_dma semaphore(%arg15 : memref<!tpu.dma_semaphore, #tpu.memory_space<semaphore_mem>>) src(%dma_wait3A_69 : memref<10000x128xf32, #tpu.memory_space<hbm>>) dst(%arg10 : memref<80x128xf32, #tpu.memory_space<vmem>>)
    %dma_wait3A_70 = arith.constant 0 : i32
    %dma_wait3A_71 = tpu.memref_slice %arg9[%dma_wait3A_70] : memref<10000xi32, #tpu.memory_space<vmem>> -> memref<80xi32, #tpu.memory_space<vmem>>
    %dma_wait3A_72 = arith.constant 0 : i32
    %dma_wait3A_73 = arith.constant 0 : i32
    %dma_wait3A_74 = tpu.memref_slice %arg2[%dma_wait3A_72, %dma_wait3A_73] : memref<10000x128xf32, #tpu.memory_space<hbm>> -> memref<10000x128xf32, #tpu.memory_space<hbm>>
    tpu.wait_indirect_dma semaphore(%arg16 : memref<!tpu.dma_semaphore, #tpu.memory_space<semaphore_mem>>) src(%dma_wait3A_74 : memref<10000x128xf32, #tpu.memory_space<hbm>>) dst(%arg11 : memref<80x128xf32, #tpu.memory_space<vmem>>)
    %scan3A_75 = arith.constant 0 : i32
    %scan3A_76 = arith.constant 80 : i32
    %scan3A_77 = arith.addi %scan3A_75, %scan3A_76 : i32
    %scan3A_78 = arith.constant 1 : i32
    %scan3A_79:8 = scf.for %scan3A_115 = %scan3A_75 to %scan3A_77 step %scan3A_78 iter_args(%scan3A_116 = %scan3A_63#0, %scan3A_117 = %scan3A_63#1, %scan3A_118 = %scan3A_63#2, %scan3A_119 = %scan3A_63#3, %scan3A_120 = %scan3A_63#4, %scan3A_121 = %scan3A_63#5, %scan3A_122 = %scan3A_63#6, %scan3A_123 = %scan3A_63#7) -> (vector<16xf32>, vector<16xf32>, vector<16xf32>, vector<16xf32>, vector<16xf32>, vector<16xf32>, vector<16xf32>, vector<16xf32>)  : i32 {
      %get3A = arith.index_cast %scan3A_115 : i32 to index
      %get3A_124 = arith.constant 0 : index
      %get3A_125 = tpu.vector_load %arg10[%get3A, %get3A_124] {strides = array<i32>} : memref<80x128xf32, #tpu.memory_space<vmem>>, vector<1x16xf32>,
      %get3A_126 = vector.shape_cast %get3A_125 : vector<1x16xf32> to vector<16xf32>
      %get3A_127 = arith.index_cast %scan3A_115 : i32 to index
      %get3A_128 = arith.constant 0 : index
      %get3A_129 = tpu.vector_load %arg11[%get3A_127, %get3A_128] {strides = array<i32>} : memref<80x128xf32, #tpu.memory_space<vmem>>, vector<1x16xf32>,
      %get3A_130 = vector.shape_cast %get3A_129 : vector<1x16xf32> to vector<16xf32>
      %mul3A_131 = arith.mulf %get3A_126, %get3A_130 : vector<16xf32>
      %add3A_132 = arith.addf %scan3A_116, %mul3A_131 : vector<16xf32>
      %get3A_133 = arith.index_cast %scan3A_115 : i32 to index
      %get3A_134 = arith.constant 16 : index
      %get3A_135 = tpu.vector_load %arg10[%get3A_133, %get3A_134] {strides = array<i32>} : memref<80x128xf32, #tpu.memory_space<vmem>>, vector<1x16xf32>,
      %get3A_136 = vector.shape_cast %get3A_135 : vector<1x16xf32> to vector<16xf32>
      %get3A_137 = arith.index_cast %scan3A_115 : i32 to index
      %get3A_138 = arith.constant 16 : index
      %get3A_139 = tpu.vector_load %arg11[%get3A_137, %get3A_138] {strides = array<i32>} : memref<80x128xf32, #tpu.memory_space<vmem>>, vector<1x16xf32>,
      %get3A_140 = vector.shape_cast %get3A_139 : vector<1x16xf32> to vector<16xf32>
      %mul3A_141 = arith.mulf %get3A_136, %get3A_140 : vector<16xf32>
      %add3A_142 = arith.addf %scan3A_117, %mul3A_141 : vector<16xf32>
      %get3A_143 = arith.index_cast %scan3A_115 : i32 to index
      %get3A_144 = arith.constant 32 : index
      %get3A_145 = tpu.vector_load %arg10[%get3A_143, %get3A_144] {strides = array<i32>} : memref<80x128xf32, #tpu.memory_space<vmem>>, vector<1x16xf32>,
      %get3A_146 = vector.shape_cast %get3A_145 : vector<1x16xf32> to vector<16xf32>
      %get3A_147 = arith.index_cast %scan3A_115 : i32 to index
      %get3A_148 = arith.constant 32 : index
      %get3A_149 = tpu.vector_load %arg11[%get3A_147, %get3A_148] {strides = array<i32>} : memref<80x128xf32, #tpu.memory_space<vmem>>, vector<1x16xf32>,
      %get3A_150 = vector.shape_cast %get3A_149 : vector<1x16xf32> to vector<16xf32>
      %mul3A_151 = arith.mulf %get3A_146, %get3A_150 : vector<16xf32>
      %add3A_152 = arith.addf %scan3A_118, %mul3A_151 : vector<16xf32>
      %get3A_153 = arith.index_cast %scan3A_115 : i32 to index
      %get3A_154 = arith.constant 48 : index
      %get3A_155 = tpu.vector_load %arg10[%get3A_153, %get3A_154] {strides = array<i32>} : memref<80x128xf32, #tpu.memory_space<vmem>>, vector<1x16xf32>,
      %get3A_156 = vector.shape_cast %get3A_155 : vector<1x16xf32> to vector<16xf32>
      %get3A_157 = arith.index_cast %scan3A_115 : i32 to index
      %get3A_158 = arith.constant 48 : index
      %get3A_159 = tpu.vector_load %arg11[%get3A_157, %get3A_158] {strides = array<i32>} : memref<80x128xf32, #tpu.memory_space<vmem>>, vector<1x16xf32>,
      %get3A_160 = vector.shape_cast %get3A_159 : vector<1x16xf32> to vector<16xf32>
      %mul3A_161 = arith.mulf %get3A_156, %get3A_160 : vector<16xf32>
      %add3A_162 = arith.addf %scan3A_119, %mul3A_161 : vector<16xf32>
      %get3A_163 = arith.index_cast %scan3A_115 : i32 to index
      %get3A_164 = arith.constant 64 : index
      %get3A_165 = tpu.vector_load %arg10[%get3A_163, %get3A_164] {strides = array<i32>} : memref<80x128xf32, #tpu.memory_space<vmem>>, vector<1x16xf32>,
      %get3A_166 = vector.shape_cast %get3A_165 : vector<1x16xf32> to vector<16xf32>
      %get3A_167 = arith.index_cast %scan3A_115 : i32 to index
      %get3A_168 = arith.constant 64 : index
      %get3A_169 = tpu.vector_load %arg11[%get3A_167, %get3A_168] {strides = array<i32>} : memref<80x128xf32, #tpu.memory_space<vmem>>, vector<1x16xf32>,
      %get3A_170 = vector.shape_cast %get3A_169 : vector<1x16xf32> to vector<16xf32>
      %mul3A_171 = arith.mulf %get3A_166, %get3A_170 : vector<16xf32>
      %add3A_172 = arith.addf %scan3A_120, %mul3A_171 : vector<16xf32>
      %get3A_173 = arith.index_cast %scan3A_115 : i32 to index
      %get3A_174 = arith.constant 80 : index
      %get3A_175 = tpu.vector_load %arg10[%get3A_173, %get3A_174] {strides = array<i32>} : memref<80x128xf32, #tpu.memory_space<vmem>>, vector<1x16xf32>,
      %get3A_176 = vector.shape_cast %get3A_175 : vector<1x16xf32> to vector<16xf32>
      %get3A_177 = arith.index_cast %scan3A_115 : i32 to index
      %get3A_178 = arith.constant 80 : index
      %get3A_179 = tpu.vector_load %arg11[%get3A_177, %get3A_178] {strides = array<i32>} : memref<80x128xf32, #tpu.memory_space<vmem>>, vector<1x16xf32>,
      %get3A_180 = vector.shape_cast %get3A_179 : vector<1x16xf32> to vector<16xf32>
      %mul3A_181 = arith.mulf %get3A_176, %get3A_180 : vector<16xf32>
      %add3A_182 = arith.addf %scan3A_121, %mul3A_181 : vector<16xf32>
      %get3A_183 = arith.index_cast %scan3A_115 : i32 to index
      %get3A_184 = arith.constant 96 : index
      %get3A_185 = tpu.vector_load %arg10[%get3A_183, %get3A_184] {strides = array<i32>} : memref<80x128xf32, #tpu.memory_space<vmem>>, vector<1x16xf32>,
      %get3A_186 = vector.shape_cast %get3A_185 : vector<1x16xf32> to vector<16xf32>
      %get3A_187 = arith.index_cast %scan3A_115 : i32 to index
      %get3A_188 = arith.constant 96 : index
      %get3A_189 = tpu.vector_load %arg11[%get3A_187, %get3A_188] {strides = array<i32>} : memref<80x128xf32, #tpu.memory_space<vmem>>, vector<1x16xf32>,
      %get3A_190 = vector.shape_cast %get3A_189 : vector<1x16xf32> to vector<16xf32>
      %mul3A_191 = arith.mulf %get3A_186, %get3A_190 : vector<16xf32>
      %add3A_192 = arith.addf %scan3A_122, %mul3A_191 : vector<16xf32>
      %get3A_193 = arith.index_cast %scan3A_115 : i32 to index
      %get3A_194 = arith.constant 112 : index
      %get3A_195 = tpu.vector_load %arg10[%get3A_193, %get3A_194] {strides = array<i32>} : memref<80x128xf32, #tpu.memory_space<vmem>>, vector<1x16xf32>,
      %get3A_196 = vector.shape_cast %get3A_195 : vector<1x16xf32> to vector<16xf32>
      %get3A_197 = arith.index_cast %scan3A_115 : i32 to index
      %get3A_198 = arith.constant 112 : index
      %get3A_199 = tpu.vector_load %arg11[%get3A_197, %get3A_198] {strides = array<i32>} : memref<80x128xf32, #tpu.memory_space<vmem>>, vector<1x16xf32>,
      %get3A_200 = vector.shape_cast %get3A_199 : vector<1x16xf32> to vector<16xf32>
      %mul3A_201 = arith.mulf %get3A_196, %get3A_200 : vector<16xf32>
      %add3A_202 = arith.addf %scan3A_123, %mul3A_201 : vector<16xf32>
      scf.yield %add3A_132, %add3A_142, %add3A_152, %add3A_162, %add3A_172, %add3A_182, %add3A_192, %add3A_202 : vector<16xf32>, vector<16xf32>, vector<16xf32>, vector<16xf32>, vector<16xf32>, vector<16xf32>, vector<16xf32>, vector<16xf32>
    }
    %scan3A_80 = arith.constant 80 : i32
    %add3A_81 = arith.addf %scan3A_45#0, %scan3A_45#1 : vector<16xf32>
    %add3A_82 = arith.addf %add3A_81, %scan3A_45#2 : vector<16xf32>
    %add3A_83 = arith.addf %add3A_82, %scan3A_45#3 : vector<16xf32>
    %add3A_84 = arith.addf %add3A_83, %scan3A_45#4 : vector<16xf32>
    %add3A_85 = arith.addf %add3A_84, %scan3A_45#5 : vector<16xf32>
    %add3A_86 = arith.addf %add3A_85, %scan3A_45#6 : vector<16xf32>
    %add3A_87 = arith.addf %add3A_86, %scan3A_45#7 : vector<16xf32>
    %add3A_88 = arith.addf %scan3A_79#0, %scan3A_79#1 : vector<16xf32>
    %add3A_89 = arith.addf %add3A_88, %scan3A_79#2 : vector<16xf32>
    %add3A_90 = arith.addf %add3A_89, %scan3A_79#3 : vector<16xf32>
    %add3A_91 = arith.addf %add3A_90, %scan3A_79#4 : vector<16xf32>
    %add3A_92 = arith.addf %add3A_91, %scan3A_79#5 : vector<16xf32>
    %add3A_93 = arith.addf %add3A_92, %scan3A_79#6 : vector<16xf32>
    %add3A_94 = arith.addf %add3A_93, %scan3A_79#7 : vector<16xf32>
    %mul3A_95 = arith.constant 1.000000e+00 : f32
    %mul3A_96 = vector.broadcast %mul3A_95 : f32 to vector<16xf32>
    %mul3A_97 = arith.mulf %mul3A_96, %add3A_87 : vector<16xf32>
    %mul3A_98 = arith.constant 0.000000e+00 : f32
    %mul3A_99 = vector.broadcast %mul3A_98 : f32 to vector<16xf32>
    %mul3A_100 = arith.mulf %mul3A_99, %add3A_94 : vector<16xf32>
    %add3A_101 = arith.addf %mul3A_97, %mul3A_100 : vector<16xf32>
    %mul3A_102 = arith.constant 1.000000e+00 : f32
    %mul3A_103 = vector.broadcast %mul3A_102 : f32 to vector<16xf32>
    %mul3A_104 = arith.mulf %mul3A_103, %add3A_87 : vector<16xf32>
    %mul3A_105 = arith.constant 0.000000e+00 : f32
    %mul3A_106 = vector.broadcast %mul3A_105 : f32 to vector<16xf32>
    %mul3A_107 = arith.mulf %mul3A_106, %add3A_94 : vector<16xf32>
    %add3A_108 = arith.addf %mul3A_104, %mul3A_107 : vector<16xf32>
    %sub3A = arith.subf %add3A_101, %add3A_108 : vector<16xf32>
    %mul3A_109 = arith.constant -1.562500e-06 : f32
    %mul3A_110 = vector.broadcast %mul3A_109 : f32 to vector<16xf32>
    %mul3A_111 = arith.mulf %sub3A, %mul3A_110 : vector<16xf32>
    %swap3A = arith.constant 0 : index
    %swap3A_112 = tpu.vector_load %arg14[%swap3A] {strides = array<i32>} : memref<16xf32, #tpu.memory_space<vmem>>, vector<16xf32>,
    %swap3A_113 = vector.shape_cast %swap3A_112 : vector<16xf32> to vector<16xf32>
    %swap3A_114 = vector.shape_cast %mul3A_111 : vector<16xf32> to vector<16xf32>
    tpu.vector_store %arg14[%swap3A], %swap3A_114 {strides = array<i32>} : memref<16xf32, #tpu.memory_space<vmem>>, vector<16xf32>,
    "tpu.region"() ({
      %run_scoped3A = tpu.sem_alloc : memref<!tpu.dma_semaphore, #tpu.memory_space<semaphore_mem>>
      %dma_start3A_115 = arith.constant 0 : i32
      %dma_start3A_116 = tpu.memref_slice %arg7[%add3A, %dma_start3A_115] : memref<32x16xf32, #tpu.memory_space<hbm>> -> memref<1x16xf32, #tpu.memory_space<hbm>>
      %dma_start3A_117 = tpu.memref_squeeze %dma_start3A_116 : memref<1x16xf32, #tpu.memory_space<hbm>> -> memref<16xf32, #tpu.memory_space<hbm>>
      %dma_start3A_118 = arith.constant 0 : i32
      %dma_start3A_119 = tpu.memref_slice %arg7[%add3A, %dma_start3A_118] : memref<32x16xf32, #tpu.memory_space<hbm>> -> memref<1x16xf32, #tpu.memory_space<hbm>>
      %dma_start3A_120 = tpu.memref_squeeze %dma_start3A_119 : memref<1x16xf32, #tpu.memory_space<hbm>> -> memref<16xf32, #tpu.memory_space<hbm>>
      tpu.enqueue_dma source(%arg14 : memref<16xf32, #tpu.memory_space<vmem>>) target(%dma_start3A_120 : memref<16xf32, #tpu.memory_space<hbm>>) target_semaphore(%run_scoped3A : memref<!tpu.dma_semaphore, #tpu.memory_space<semaphore_mem>>)
      %dma_wait3A_121 = arith.constant 0 : i32
      %dma_wait3A_122 = tpu.memref_slice %arg7[%add3A, %dma_wait3A_121] : memref<32x16xf32, #tpu.memory_space<hbm>> -> memref<1x16xf32, #tpu.memory_space<hbm>>
      %dma_wait3A_123 = tpu.memref_squeeze %dma_wait3A_122 : memref<1x16xf32, #tpu.memory_space<hbm>> -> memref<16xf32, #tpu.memory_space<hbm>>
      %dma_wait3A_124 = arith.constant 0 : i32
      %dma_wait3A_125 = tpu.memref_slice %arg7[%add3A, %dma_wait3A_124] : memref<32x16xf32, #tpu.memory_space<hbm>> -> memref<1x16xf32, #tpu.memory_space<hbm>>
      %dma_wait3A_126 = tpu.memref_squeeze %dma_wait3A_125 : memref<1x16xf32, #tpu.memory_space<hbm>> -> memref<16xf32, #tpu.memory_space<hbm>>
      tpu.wait_dma2 semaphore(%run_scoped3A : memref<!tpu.dma_semaphore, #tpu.memory_space<semaphore_mem>>) src(%arg14 : memref<16xf32, #tpu.memory_space<vmem>>) dst(%dma_wait3A_126 : memref<16xf32, #tpu.memory_space<hbm>>)
      tpu.yield
    }) : () -> ()
    return
  }
}

</mosaic_0001>

<sc_bundles>
// kernel: kernel.3.cloned.1.call-start
scs
__scs_entry_jumppad:
0x0: {  	(pc) =	sbr.rel $0x88, $3  }
0x1: {  	(tag) =	ssettag $0x0;
	lr =	simm.s32 $0x1  }
0x2: {  	[smem:$0x3F9E] =	sst lr;
	_ =	strace $0xD0000000  }
0x3: {  	_ = 	snop  }
0x4: {  	_ = 	snop  }
0x5: {  	_ = 	snop  }
0x6: {  	_ = 	snop  }
0x7: {  	_ = 	snop  }
__scs_overlays_trampoline_lowered:
0x8: {  	[smem:$0x3FAD] =	sst s0  }
0x9: {  	[smem:$0x3FAE] =	sst s1  }
0xa: {  	[smem:$0x3FAF] =	sst s2  }
0xb: {  	[smem:$0x3FB0] =	sst s3  }
0xc: {  	[smem:$0x3FB1] =	sst s4  }
0xd: {  	[smem:$0x3FB2] =	sst s5  }
0xe: {  	[smem:$0x3FB3] =	sst s6  }
0xf: {  	[smem:$0x3FB4] =	sst s7  }
0x10: {  	[smem:$0x3FB5] =	sst s8  }
0x11: {  	[smem:$0x3FB6] =	sst s9;
	s0 =	simm.s32 @!p0 $0x0  }
0x12: {  	s1 =	sld [smem:$0x3F9C];
	s0 =	simm.s32 @p0 $0x1  }
0x13: {  	[smem:$0x3FB7] =	sst s0;
	s0 =	simm.s32 @!p1 $0x0  }
0x14: {  	s2 =	sld [smem:$0x3F9B];
	s0 =	simm.s32 @p1 $0x1  }
0x15: {  	[smem:$0x3FB8] =	sst s0;
	s0 =	simm.s32 @!p2 $0x0  }
0x16: {  	s3 =	sld [smem:$0x3FDB];
	s0 =	simm.s32 @p2 $0x1  }
0x17: {  	s4 =	simm.s32 $0x1BF5;
	[smem:$0x3FBA] =	sst s0  }
0x18: {  	s0 =	sld [smem:$0x3F9D];
	_ =	swait.ge [sflag:s4], $0x0  }
0x19: {  	s7 =	sld [smem:$0x3F9E]  }
0x1a: {  	s8 =	sadd.s32 $0xFFFFE003, lr  }
0x1b: {  	s9 =	sadd.s32 $0xFFFFFEF7, lr;
	s5 =	simm.s32 $0xFFFFFFFF;
	p2 =	slt.u32 s8, $0xFFFFF086  }
0x1c: {  	p1 =	slt.u32 s9, $0xF7A;
	s5 =	simm.s32 @!p2 $0x0  }
0x1d: {  	s5 =	simm.s32 @p1 $0x1;
	p0 =	seq.s32 s7, s2  }
0x1e: {  	s7 =	smul.u32 @!p0 $0xF7A, s2;
	p2 =	seq.s32 @!p0 s5, $0x0  }
0x1f: {  	s9 =	smul.u32 $0xF7A, s1;
	s8 =	simm.s32 @!p0 $0x1BF5;
	p2 =	por !p2, p0  }
0x20: {  	[sflag:s8] =	ssyncset.s32 @!p0 $0xFFFFF086;
	s6 =	sadd.s32 @!p0 s3, s7;
	s7 =	simm.s32 @!p0 $0x108  }
0x21: {  	s3 =	sadd.s32 s3, s9;
	s6 =	sadd.s32 @!p0 $0x88, s6;
	s7 =	simm.s32 @p2 $0x1082  }
0x22: {  	[simem:s7], [sflag:s8] =	dma.local @!p0 [hbm:s6], $0xF7A  }
0x23: {  	s9 =	sor.u32 $0xD0000000, s2;
	s6 =	simm.s32 $0x108;
	_ =	swait.ge @!p0 [sflag:s8], $0x0  }
0x24: {  	s3 =	sadd.s32 $0x88, s3;
	s6 =	simm.s32 @!p1 $0x1082;
	[sflag:s4] =	ssyncset.s32 $0xFFFFF086  }
0x25: {  	[simem:s6], [sflag:s4] =	dma.local [hbm:s3], $0xF7A  }
0x26: {  	[smem:$0x3F9E] =	sst s1;
	(tag) =	ssettag s2;
	_ =	strace s9  }
0x27: {  	s1 =	sld [smem:$0x3FAE]  }
0x28: {  	s2 =	sld [smem:$0x3FAF]  }
0x29: {  	s4 =	sld [smem:$0x3FB1]  }
0x2a: {  	p0 =	seq.s32 s5, $0x0;
	s5 =	sld [smem:$0x3FB2]  }
0x2b: {  	s6 =	sld [smem:$0x3FB3]  }
0x2c: {  	s7 =	sld [smem:$0x3FB4]  }
0x2d: {  	s3 =	simm.s32 $0x108;
	s8 =	sld [smem:$0x3FB5]  }
0x2e: {  	s3 =	simm.s32 @!p0 $0x1082;
	s9 =	sld [smem:$0x3FB6]  }
0x2f: {  	lr =	sadd.s32 s0, s3;
	s0 =	sld [smem:$0x3FAD]  }
0x30: {  	s3 =	sld [smem:$0x3FB0]  }
0x31: {  	[smem:$0x3FB9] =	sst s10  }
0x32: {  	s10 =	sld [smem:$0x3FB7];
	_ =	sdelay $0x3  }
0x33: {  	p0 =	seq.s32 s10, $0x1;
	s10 =	sld [smem:$0x3FB9];
	_ =	sdelay $0x3  }
0x34: {  	[smem:$0x3FB9] =	sst s10  }
0x35: {  	s10 =	sld [smem:$0x3FB8];
	_ =	sdelay $0x3  }
0x36: {  	p1 =	seq.s32 s10, $0x1;
	s10 =	sld [smem:$0x3FB9];
	_ =	sdelay $0x3  }
0x37: {  	[smem:$0x3FB9] =	sst s10  }
0x38: {  	s10 =	sld [smem:$0x3FBA]  }
0x39: {  	_ = 	snop;
	(pc) =	sbr.ind lr, $3  }
0x3a: {  	_ = 	snop  }
0x3b: {  	_ = 	snop  }
0x3c: {  	p2 =	seq.s32 s10, $0x1;
	s10 =	sld [smem:$0x3FB9]  }
0x3d: {  	_ =	shalt  }
0x3e: {  	_ =	shalt  }
0x3f: {  	_ =	shalt  }
0x40: {  	_ =	shalt  }
0x41: {  	_ =	shalt  }
0x42: {  	_ =	shalt  }
0x43: {  	_ =	shalt  }
0x44: {  	_ =	shalt  }
0x45: {  	_ =	shalt  }
0x46: {  	_ =	shalt  }
0x47: {  	_ =	shalt  }
0x48: {  	_ =	shalt  }
0x49: {  	_ =	shalt  }
0x4a: {  	_ =	shalt  }
0x4b: {  	_ =	shalt  }
0x4c: {  	_ =	shalt  }
0x4d: {  	_ =	shalt  }
0x4e: {  	_ =	shalt  }
0x4f: {  	_ =	shalt  }
0x50: {  	_ =	shalt  }
0x51: {  	_ =	shalt  }
0x52: {  	_ =	shalt  }
0x53: {  	_ =	shalt  }
0x54: {  	_ =	shalt  }
0x55: {  	_ =	shalt  }
0x56: {  	_ =	shalt  }
0x57: {  	_ =	shalt  }
0x58: {  	_ =	shalt  }
0x59: {  	_ =	shalt  }
0x5a: {  	_ =	shalt  }
0x5b: {  	_ =	shalt  }
0x5c: {  	_ =	shalt  }
0x5d: {  	_ =	shalt  }
0x5e: {  	_ =	shalt  }
0x5f: {  	_ =	shalt  }
0x60: {  	_ =	shalt  }
0x61: {  	_ =	shalt  }
0x62: {  	_ =	shalt  }
0x63: {  	_ =	shalt  }
0x64: {  	_ =	shalt  }
0x65: {  	_ =	shalt  }
0x66: {  	_ =	shalt  }
0x67: {  	_ =	shalt  }
0x68: {  	_ =	shalt  }
0x69: {  	_ =	shalt  }
0x6a: {  	_ =	shalt  }
0x6b: {  	_ =	shalt  }
0x6c: {  	_ =	shalt  }
0x6d: {  	_ =	shalt  }
0x6e: {  	_ =	shalt  }
0x6f: {  	_ =	shalt  }
0x70: {  	_ =	shalt  }
0x71: {  	_ =	shalt  }
0x72: {  	_ =	shalt  }
0x73: {  	_ =	shalt  }
0x74: {  	_ =	shalt  }
0x75: {  	_ =	shalt  }
0x76: {  	_ =	shalt  }
0x77: {  	_ =	shalt  }
0x78: {  	_ =	shalt  }
0x79: {  	_ =	shalt  }
0x7a: {  	_ =	shalt  }
0x7b: {  	_ =	shalt  }
0x7c: {  	_ =	shalt  }
0x7d: {  	_ =	shalt  }
0x7e: {  	_ =	shalt  }
0x7f: {  	_ =	shalt  }
0x80: {  	_ =	shalt  }
0x81: {  	_ =	shalt  }
0x82: {  	_ =	shalt  }
0x83: {  	_ =	shalt  }
0x84: {  	_ =	shalt  }
0x85: {  	_ =	shalt  }
0x86: {  	_ =	shalt  }
0x87: {  	_ =	shalt  }
.Lfunc_end0:
.L_simem_size_0:
called_computation_lowered:
.L_overlay_start_0:
0x88: {  	s2 =	sld [smem:$0x3FD9]  }
0x89: {  	s3 =	sld [smem:$0x3FFE];
	_ =	sdelay $0x1  }
0x8a: {  	s1 =	srdreg.scid  }
0x8b: {  	s0 =	sand.u32 $0x1, s1  }
0x8c: {  	s17 =	sshll.u32 s0, $0xA;
	s2 =	sadd.s32 s3, s2  }
0x8d: {  	s2 =	sadd.s32 s2, s17  }
0x8e: {  	[smem:$0x3FC5] =	sst s2  }
0x8f: {  	_ = 	snop  }
0x90: {  	s2 =	sld [smem:$0x3FC9];
	(tm) =	ssettm $0x1  }
0x91: {  	s18 =	sld [smem:$0x3FFB];
	_ =	sdelay $0x3  }
0x92: {  	_ =	strace s18  }
0x93: {  	s3 =	sld [smem:$0x3FFC];
	_ =	sdelay $0x3  }
0x94: {  	_ =	strace s3  }
0x95: {  	s3 =	sld [smem:$0x3FFD];
	_ =	sdelay $0x3  }
0x96: {  	_ =	strace s3  }
0x97: {  	_ =	strace $0x8FFFFFFF  }
0x98: {  	s19 =	sld [smem:$0x3FDB];
	_ =	sdelay $0x1  }
0x99: {  	s4 =	simm.s32 $_scs_section_size  }
0x9a: {  	s5 =	simm.s32 $_size__tile_overlayer_lowered;
	s6 =	simm.s32 $_tile_overlayer_lowered  }
0x9b: {  	s22 =	simm.s32 $0x1BFF;
	s21 =	sshll.u32 s6, $0x1;
	s3 =	sadd.s32 s4, s19  }
0x9c: {  	s7 =	simm.s32 $0x0;
	s20 =	sshll.u32 s5, $0x1;
	s5 =	sadd.s32 s21, s3  }
0x9d: {  	[timem:s7], [sflag:s22] =	dma.local [hbm:s5], s20  }
0x9e: {  	_ =	swait.ge [sflag:s22], s20  }
0x9f: {  	s4 =	ssub.s32 $0x0, s20;
	[sflag:s22] =	ssyncset.done $0x0  }
0xa0: {  	[sflag:s22] =	ssyncadd.s32 s4;
	_ =	sdelay $0x1  }
0xa1: {  	s23 =	simm.s32 $0x1B8B  }
0xa2: {  	_ =	swait.ge [sflag:s23], $0x1  }
0xa3: {  	[sflag:s23] =	ssyncset.done $0x0  }
0xa4: {  	s25 =	simm.s32 $0x1B8E;
	s24 =	sld [smem:$0x3FFE];
	[sflag:s23] =	ssyncadd.s32 $0xFFFFFFFF  }
0xa5: {  	s26 =	simm.s32 $execute0_lowered;
	[smem:$0x3FD2] =	sst s25  }
0xa6: {  	s5 =	sshll.u32 s26, $0x1;
	_ =	strace $0x80000046;
	[dreg:$0x1] =	wrdreg $0xFFFFFFFF  }
0xa7: {  	s28 =	simm.s32 $_size_execute0_lowered;
	s3 =	sadd.s32 s3, s5;
	[dreg:$0x0] =	wrdreg $0x0  }
0xa8: {  	s5 =	sshll.u32 s28, $0x1;
	[dreg:$0x2] =	wrdreg s3  }
0xa9: {  	[dreg:$0x3] =	wrdreg s5  }
0xaa: {  	[dreg:$0x4] =	wrdreg $0xC0  }
0xab: {  	_ =	task [dreg:s7], $0x5FFFF  }
0xac: {  	[dreg:$0x1] =	wrdreg $0xFFFFFFFF  }
0xad: {  	[dreg:$0x0] =	wrdreg $0x60  }
0xae: {  	[dreg:$0x2] =	wrdreg s2  }
0xaf: {  	[dreg:$0x3] =	wrdreg s24  }
0xb0: {  	[dreg:$0x4] =	wrdreg $0x9  }
0xb1: {  	_ =	task.clear_ibuf [dreg:s7], $0x5FFFF;
	_ =	strace $0x90000046  }
0xb2: {  	s29 =	simm.s32 $0x9;
	_ =	strace $0x80000048  }
0xb3: {  	_ =	swait.ge [sflag:s29], $0x1  }
0xb4: {  	[sflag:s29] =	ssyncadd.s32 $0xFFFFFFFF  }
0xb5: {  	_ =	strace $0x90000048  }
0xb6: {  	_ =	sfence  }
0xb7: {  	s30 =	sld [smem:$0x0];
	_ =	sdelay $0x2  }
0xb8: {  	s31 =	sshll.u32 s1, $0xD;
	s1 =	sshrl.u32 s1, $0x2  }
0xb9: {  	s3 =	sand.u32 $0x4000, s31;
	s1 =	sadd.s32 s1, s30  }
0xba: {  	s0 =	sor.u32 s3, s0;
	s1 =	sshll.u32 s1, $0x11  }
0xbb: {  	s0 =	sor.u32 s1, s0  }
0xbc: {  	s0 =	sadd.s32 $0x8F2B, s0  }
0xbd: {  	[sflag:s0] =	ssyncadd.remote.s32 $0x1  }
0xbe: {  	_ =	sfence.sel $0xFFFF  }
0xbf: {  	[dreg:$0x0] =	wrdreg $0xFFFFFFFF;
	(pc) =	sbr.abs _section_cstart, $3  }
0xc0: {  	[dreg:$0x1] =	wrdreg $0xFFFFFFFF  }
0xc1: {  	_ =	task.clear_ibuf [dreg:s7], $0x2FFFF;
	_ =	strace $0x9FFFFFFF  }
0xc2: {  	(tm) =	ssettm $0x7FFFFFFF  }
0xc3: {  	_ =	shalt  }
tec
execute0_lowered:
.L_overlay_start_1:
0x0: {  	(tag) =	ssettag $0x1  }
0x1: {  	s2 =	rddreg [dreg:$0x0]  }
0x2: {  	s1 =	srdreg.scid;
	s0 =	stileid.u32  }
0x3: {  	s4 =	rddreg [dreg:$0x1];
	s3 =	simm.s32 $0x0;
	s11 =	simm.s32 $0x2780  }
0x4: {  	s12 =	simm.s32 $0x50;
	s13 =	simm.s32 $0x4F00;
	s14 =	simm.s32 $0x7700  }
0x5: {  	s15 =	simm.s32 $0x9F00;
	s16 =	simm.s32 $0xC700;
	s17 =	simm.s32 $0x1  }
0x6: {  	s18 =	simm.s32 $0x2;
	s19 =	simm.s32 $0x3;
	s20 =	simm.s32 $0x4  }
0x7: {  	s21 =	simm.s32 $0xEF00;
	s5 =	sand.u32 $0x1, s1;
	s6 =	sshll.u32 s0, $0x1  }
0x8: {  	s22 =	simm.s32 $0x0;
	s1 =	rddreg [dreg:$0x2];
	s6 =	sor.u32 s5, s6  }
0x9: {  	[smem:$0x7FF] =	sst s3;
	s5 =	ssub.s32 $0x2, s5;
	s7 =	smul.u32 $0x4E2, s6  }
0xa: {  	_ =	strace $0x80000047;
	s6 =	sshll.u32 s6, $0x4;
	s8 =	sshrl.u32 s5, $0x1  }
0xb: {  	s9 =	sadd.s32 s6, s4;
	s10 =	ssub.s32 s5, s8;
	s4 =	sadd.s32 s4, s7  }
0xc: {  	s8 =	sadd.s32 $0x27800, s9;
	s9 =	smax.u32 s10, $0x1;
	s10 =	simm.s32 $0x5  }
0xd: {  	s5 =	sadd.s32 $0x13C00, s4;
	s6 =	sadd.s32 $0x1DA00, s4;
	s7 =	sadd.s32 $0x9E00, s4  }
.LBB2_1:
0xe: {  	[tilespmem:s3], [sflag:$0x5] =	stream.linear.gather [hbm4b:s5+s3], $0x2710, $0x38;
	[tilespmem:$0xEF80] =	vst v63  }
0xf: {  	_ =	swait.ge [sflag:s10], $0x2710  }
0x10: {  	[sflag:s10] =	ssyncset.done $0x0  }
0x11: {  	[sflag:s10] =	ssyncadd.s32 $0xFFFFD8F0  }
0x12: {  	[tilespmem:s11], [sflag:$0x5] =	stream.linear.gather [hbm4b:s6+s3], $0x2710, $0x38;
	[tilespmem:$0xEF80] =	vst v63  }
0x13: {  	_ =	swait.ge [sflag:s10], $0x2710  }
0x14: {  	[sflag:s10] =	ssyncset.done $0x0  }
0x15: {  	[sflag:s10] =	ssyncadd.s32 $0xFFFFD8F0  }
0x16: {  	v0 =	vimm.f32 $0.0e+00;
	v10 =	vimm.f32 $0.0e+00;
	[tilespmem:s13], [sflag:$0x1] =	stream.indirect.gather [hbm4b:s2+s12], $0x80, s3, s12, $0xb8;
	[tilespmem:$0xEF80] =	vst v63  }
0x17: {  	v1 =	vimm.f32 $0.0e+00;
	v2 =	vimm.f32 $0.0e+00;
	v8 =	vimm.f32 $0.0e+00;
	s23 =	simm.s32 $0x0  }
0x18: {  	v3 =	vimm.f32 $0.0e+00;
	v9 =	vimm.f32 $0.0e+00;
	v7 =	vimm.f32 $0.0e+00;
	[tilespmem:s14], [sflag:$0x2] =	stream.indirect.gather [hbm4b:s2+s12], $0x80, s11, s12, $0xb8;
	[tilespmem:$0xEF80] =	vst v63  }
.LBB2_2:
0x19: {  	s24 =	smul.u32 $0xA0, s23;
	_ =	sdelay $0x1  }
0x1a: {  	s25 =	sadd.s32 $0x50, s24  }
0x1b: {  	[tilespmem:s15], [sflag:$0x3] =	stream.indirect.gather [hbm4b:s2+s12], $0x80, s25, s12, $0xb8;
	[tilespmem:$0xEF80] =	vst v63  }
0x1c: {  	s31 =	sadd.s32 $0x27D0, s24  }
0x1d: {  	[tilespmem:s16], [sflag:$0x4] =	stream.indirect.gather [hbm4b:s2+s12], $0x80, s31, s12, $0xb8;
	[tilespmem:$0xEF80] =	vst v63  }
0x1e: {  	_ =	swait.ge [sflag:s17], $0x2800  }
0x1f: {  	[sflag:s17] =	ssyncset.done $0x0  }
0x20: {  	[sflag:s17] =	ssyncadd.s32 $0xFFFFD800  }
0x21: {  	_ =	swait.ge [sflag:s18], $0x2800  }
0x22: {  	[sflag:s18] =	ssyncset.done $0x0  }
0x23: {  	s26 =	simm.s32 $0x0;
	[sflag:s18] =	ssyncadd.s32 $0xFFFFD800  }
0x24: {  	v4 =	vld [tilespmem:s26+$0x4F70]  }
0x25: {  	v5 =	vld [tilespmem:s26+$0x7770]  }
0x26: {  	v6 =	vld [tilespmem:s26+$0x4F00]  }
0x27: {  	v12 =	vld [tilespmem:s26+$0x7700]  }
0x28: {  	v13 =	vld [tilespmem:s26+$0x4F10]  }
0x29: {  	v14 =	vld [tilespmem:s26+$0x7710]  }
0x2a: {  	v15 =	vld [tilespmem:s26+$0x4F20]  }
0x2b: {  	v16 =	vld [tilespmem:s26+$0x7720]  }
0x2c: {  	v17 =	vld [tilespmem:s26+$0x4F30]  }
0x2d: {  	v18 =	vld [tilespmem:s26+$0x7730]  }
0x2e: {  	v19 =	vld [tilespmem:s26+$0x4F40]  }
0x2f: {  	v20 =	vld [tilespmem:s26+$0x7740]  }
0x30: {  	v11 =	vld [tilespmem:s26+$0x4F50];
	v4 =	vmul.f32 v5, v4  }
0x31: {  	v5 =	vmul.f32 v12, v6;
	v13 =	vmul.f32 v14, v13;
	v12 =	vld [tilespmem:s26+$0x7750]  }
0x32: {  	v14 =	vmul.f32 v16, v15;
	v15 =	vmul.f32 v18, v17;
	v6 =	vadd.f32 v4, v10;
	v10 =	vld [tilespmem:s26+$0x4F60]  }
0x33: {  	s25 =	simm.s32 $0x80;
	v7 =	vadd.f32 v5, v7;
	v4 =	vadd.f32 v13, v9;
	v13 =	vld [tilespmem:s26+$0x7760]  }
0x34: {  	v3 =	vadd.f32 v14, v3;
	v9 =	vld [tilespmem:s25+$0x4F70];
	s26 =	simm.s32 $0x400;
	v5 =	vadd.f32 v15, v8;
	v8 =	vmul.f32 v20, v19  }
.LBB2_3:
0x35: {  	p0 =	sne.s32 s26, $0x9E00;
	v14 =	vld [tilespmem:s25+$0x7770]  }
0x36: {  	v15 =	vld [tilespmem:s25+$0x4F00];
	v2 =	vadd.f32 v8, v2;
	v8 =	vmul.f32 v12, v11  }
0x37: {  	v11 =	vld [tilespmem:s25+$0x7700]  }
0x38: {  	v12 =	vld [tilespmem:s25+$0x4F10];
	v1 =	vadd.f32 v8, v1;
	v8 =	vmul.f32 v13, v10  }
0x39: {  	v10 =	vld [tilespmem:s25+$0x7710]  }
0x3a: {  	v13 =	vld [tilespmem:s25+$0x4F20];
	v9 =	vmul.f32 v14, v9;
	v0 =	vadd.f32 v8, v0  }
0x3b: {  	v8 =	vld [tilespmem:s25+$0x7720]  }
0x3c: {  	v11 =	vmul.f32 v11, v15;
	v14 =	vld [tilespmem:s25+$0x4F30];
	v6 =	vadd.f32 v9, v6  }
0x3d: {  	v9 =	vld [tilespmem:s25+$0x7730]  }
0x3e: {  	v7 =	vadd.f32 v11, v7;
	v10 =	vmul.f32 v10, v12;
	v15 =	vld [tilespmem:s25+$0x4F40]  }
0x3f: {  	v16 =	vld [tilespmem:s25+$0x7740]  }
.Ltmp0:
0x40: {  	v4 =	vadd.f32 v10, v4;
	v8 =	vmul.f32 v8, v13;
	v11 =	vld [tilespmem:s25+$0x4F50];
	(pc) =	sbr.rel @p0 .LBB2_3-.Ltmp0, $4  }
0x41: {  	v12 =	vld [tilespmem:s25+$0x7750]  }
0x42: {  	v3 =	vadd.f32 v8, v3;
	v8 =	vmul.f32 v9, v14;
	v10 =	vld [tilespmem:s25+$0x4F60]  }
0x43: {  	v13 =	vld [tilespmem:s25+$0x7760];
	s25 =	sshra.s32 s26, $0x2  }
0x44: {  	s26 =	sadd.s32 $0x200, s26;
	v9 =	vld [tilespmem:s25+$0x4F70];
	v5 =	vadd.f32 v8, v5;
	v8 =	vmul.f32 v16, v15  }
0x45: {  	v14 =	vld [tilespmem:s25+$0x7770]  }
0x46: {  	v15 =	vld [tilespmem:s25+$0x4F00]  }
0x47: {  	v16 =	vld [tilespmem:s25+$0x7700]  }
0x48: {  	v17 =	vld [tilespmem:s25+$0x4F10]  }
0x49: {  	v18 =	vld [tilespmem:s25+$0x7710]  }
0x4a: {  	v19 =	vld [tilespmem:s25+$0x4F20]  }
0x4b: {  	v20 =	vld [tilespmem:s25+$0x7720]  }
0x4c: {  	v21 =	vld [tilespmem:s25+$0x4F30]  }
0x4d: {  	v22 =	vld [tilespmem:s25+$0x7730]  }
0x4e: {  	v23 =	vld [tilespmem:s25+$0x4F40]  }
0x4f: {  	v24 =	vld [tilespmem:s25+$0x7740]  }
0x50: {  	v25 =	vld [tilespmem:s25+$0x4F50]  }
0x51: {  	v26 =	vld [tilespmem:s25+$0x7750]  }
0x52: {  	v27 =	vld [tilespmem:s25+$0x4F60];
	s29 =	sadd.s32 $0xA0, s24  }
0x53: {  	v28 =	vld [tilespmem:s25+$0x7760];
	[tilespmem:s13], [sflag:$0x1] =	stream.indirect.gather [hbm4b:s2+s12], $0x80, s29, s12, $0xb8  }
0x54: {  	s30 =	sadd.s32 $0x2820, s24  }
0x55: {  	[tilespmem:s14], [sflag:$0x2] =	stream.indirect.gather [hbm4b:s2+s12], $0x80, s30, s12, $0xb8;
	[tilespmem:$0xEF80] =	vst v63  }
0x56: {  	_ =	swait.ge [sflag:s19], $0x2800  }
0x57: {  	[sflag:s19] =	ssyncset.done $0x0  }
0x58: {  	[sflag:s19] =	ssyncadd.s32 $0xFFFFD800  }
0x59: {  	_ =	swait.ge [sflag:s20], $0x2800  }
0x5a: {  	[sflag:s20] =	ssyncset.done $0x0  }
0x5b: {  	s31 =	simm.s32 $0x0;
	[sflag:s20] =	ssyncadd.s32 $0xFFFFD800  }
0x5c: {  	v29 =	vld [tilespmem:s31+$0x9F70]  }
0x5d: {  	v30 =	vld [tilespmem:s31+$0xC770]  }
0x5e: {  	v31 =	vld [tilespmem:s31+$0x9F00]  }
0x5f: {  	v32 =	vld [tilespmem:s31+$0xC700]  }
0x60: {  	v33 =	vld [tilespmem:s31+$0x9F10]  }
0x61: {  	v11 =	vmul.f32 v12, v11;
	v12 =	vld [tilespmem:s31+$0xC710]  }
0x62: {  	v10 =	vmul.f32 v13, v10;
	v9 =	vmul.f32 v14, v9;
	v13 =	vld [tilespmem:s31+$0x9F20]  }
0x63: {  	v2 =	vadd.f32 v8, v2;
	v8 =	vadd.f32 v11, v1;
	v1 =	vmul.f32 v16, v15;
	v11 =	vld [tilespmem:s31+$0xC720]  }
0x64: {  	v10 =	vadd.f32 v10, v0;
	v0 =	vmul.f32 v18, v17;
	v6 =	vadd.f32 v9, v6;
	v14 =	vld [tilespmem:s31+$0x9F30]  }
0x65: {  	v7 =	vadd.f32 v1, v7;
	v1 =	vmul.f32 v20, v19;
	v9 =	vmul.f32 v22, v21;
	v15 =	vld [tilespmem:s31+$0xC730]  }
0x66: {  	v58 =	vmul.f32 v26, v25;
	v4 =	vadd.f32 v0, v4;
	v0 =	vmul.f32 v24, v23;
	v59 =	vld [tilespmem:s31+$0x9F40]  }
0x67: {  	v60 =	vadd.f32 v1, v3;
	v61 =	vadd.f32 v9, v5;
	v3 =	vmul.f32 v28, v27;
	v62 =	vld [tilespmem:s31+$0xC740]  }
0x68: {  	v1 =	vadd.f32 v0, v2;
	v0 =	vadd.f32 v58, v8;
	v8 =	vld [tilespmem:s31+$0x9F50];
	v5 =	vmul.f32 v30, v29  }
0x69: {  	v9 =	vld [tilespmem:s31+$0xC750];
	v2 =	vadd.f32 v3, v10;
	v63 =	vmul.f32 v32, v31;
	v12 =	vmul.f32 v12, v33  }
0x6a: {  	v10 =	vld [tilespmem:s31+$0x9F60];
	v3 =	vadd.f32 v5, v6;
	v6 =	vmul.f32 v11, v13;
	v13 =	vmul.f32 v15, v14  }
0x6b: {  	s24 =	simm.s32 $0x80;
	v7 =	vadd.f32 v63, v7;
	v5 =	vadd.f32 v12, v4;
	v12 =	vld [tilespmem:s31+$0xC760]  }
0x6c: {  	s25 =	simm.s32 $0x400;
	v11 =	vld [tilespmem:s24+$0x9F70];
	v6 =	vadd.f32 v6, v60;
	v4 =	vadd.f32 v13, v61;
	v13 =	vmul.f32 v62, v59  }
.LBB2_5:
0x6d: {  	p0 =	sne.s32 s25, $0x9E00;
	v14 =	vld [tilespmem:s24+$0xC770]  }
0x6e: {  	v15 =	vld [tilespmem:s24+$0x9F00];
	v1 =	vadd.f32 v13, v1;
	v8 =	vmul.f32 v9, v8  }
0x6f: {  	v9 =	vld [tilespmem:s24+$0xC700]  }
0x70: {  	v13 =	vld [tilespmem:s24+$0x9F10];
	v0 =	vadd.f32 v8, v0;
	v8 =	vmul.f32 v12, v10  }
0x71: {  	v10 =	vld [tilespmem:s24+$0xC710]  }
0x72: {  	v12 =	vld [tilespmem:s24+$0x9F20];
	v11 =	vmul.f32 v14, v11;
	v2 =	vadd.f32 v8, v2  }
0x73: {  	v8 =	vld [tilespmem:s24+$0xC720]  }
0x74: {  	v9 =	vmul.f32 v9, v15;
	v14 =	vld [tilespmem:s24+$0x9F30];
	v3 =	vadd.f32 v11, v3  }
0x75: {  	v11 =	vld [tilespmem:s24+$0xC730]  }
0x76: {  	v7 =	vadd.f32 v9, v7;
	v9 =	vmul.f32 v10, v13;
	v13 =	vld [tilespmem:s24+$0x9F40]  }
0x77: {  	v15 =	vld [tilespmem:s24+$0xC740]  }
.Ltmp1:
0x78: {  	v5 =	vadd.f32 v9, v5;
	v10 =	vmul.f32 v8, v12;
	v8 =	vld [tilespmem:s24+$0x9F50];
	(pc) =	sbr.rel @p0 .LBB2_5-.Ltmp1, $4  }
0x79: {  	v9 =	vld [tilespmem:s24+$0xC750]  }
0x7a: {  	v6 =	vadd.f32 v10, v6;
	v14 =	vmul.f32 v11, v14;
	v10 =	vld [tilespmem:s24+$0x9F60]  }
0x7b: {  	v12 =	vld [tilespmem:s24+$0xC760];
	s24 =	sshra.s32 s25, $0x2  }
0x7c: {  	s25 =	sadd.s32 $0x200, s25;
	v11 =	vld [tilespmem:s24+$0x9F70];
	v4 =	vadd.f32 v14, v4;
	v13 =	vmul.f32 v15, v13  }
0x7d: {  	v14 =	vld [tilespmem:s24+$0xC770]  }
0x7e: {  	v15 =	vld [tilespmem:s24+$0x9F00]  }
0x7f: {  	v16 =	vld [tilespmem:s24+$0xC700]  }
0x80: {  	v17 =	vld [tilespmem:s24+$0x9F10]  }
0x81: {  	v18 =	vld [tilespmem:s24+$0xC710]  }
0x82: {  	v19 =	vld [tilespmem:s24+$0x9F20]  }
0x83: {  	v20 =	vld [tilespmem:s24+$0xC720]  }
0x84: {  	v21 =	vld [tilespmem:s24+$0x9F30]  }
0x85: {  	v22 =	vld [tilespmem:s24+$0xC730]  }
0x86: {  	v23 =	vld [tilespmem:s24+$0x9F40]  }
0x87: {  	v24 =	vld [tilespmem:s24+$0xC740]  }
0x88: {  	v25 =	vld [tilespmem:s24+$0x9F50]  }
0x89: {  	v26 =	vld [tilespmem:s24+$0xC750]  }
0x8a: {  	v27 =	vld [tilespmem:s24+$0x9F60]  }
0x8b: {  	v62 =	vld [tilespmem:s24+$0xC760];
	v8 =	vmul.f32 v9, v8;
	v9 =	vmul.f32 v12, v10  }
0x8c: {  	s23 =	sadd.s32 $0x1, s23;
	v1 =	vadd.f32 v13, v1;
	v10 =	vmul.f32 v14, v11;
	v11 =	vmul.f32 v16, v15  }
0x8d: {  	p0 =	sne.s32 s23, $0x3E;
	v0 =	vadd.f32 v8, v0;
	v63 =	vadd.f32 v9, v2;
	v2 =	vmul.f32 v18, v17  }
.Ltmp2:
0x8e: {  	v10 =	vadd.f32 v10, v3;
	v7 =	vadd.f32 v11, v7;
	v3 =	vmul.f32 v20, v19;
	(pc) =	sbr.rel @p0 .LBB2_2-.Ltmp2, $4  }
0x8f: {  	v9 =	vadd.f32 v2, v5;
	v2 =	vmul.f32 v22, v21;
	v5 =	vmul.f32 v24, v23  }
0x90: {  	v11 =	vmul.f32 v62, v27;
	v3 =	vadd.f32 v3, v6;
	v6 =	vmul.f32 v26, v25  }
0x91: {  	v8 =	vadd.f32 v2, v4;
	v2 =	vadd.f32 v5, v1  }
0x92: {  	v1 =	vadd.f32 v6, v0;
	v0 =	vadd.f32 v11, v63  }
0x93: {  	_ =	swait.ge [sflag:s17], $0x2800  }
0x94: {  	[sflag:s17] =	ssyncset.done $0x0  }
0x95: {  	[sflag:s17] =	ssyncadd.s32 $0xFFFFD800  }
0x96: {  	_ =	swait.ge [sflag:s18], $0x2800  }
0x97: {  	[sflag:s18] =	ssyncset.done $0x0  }
0x98: {  	s24 =	simm.s32 $0x0;
	[sflag:s18] =	ssyncadd.s32 $0xFFFFD800  }
0x99: {  	v4 =	vld [tilespmem:s24+$0x4F70]  }
0x9a: {  	v5 =	vld [tilespmem:s24+$0x7770]  }
0x9b: {  	v6 =	vld [tilespmem:s24+$0x4F00]  }
0x9c: {  	v12 =	vld [tilespmem:s24+$0x7700]  }
0x9d: {  	v13 =	vld [tilespmem:s24+$0x4F10]  }
0x9e: {  	v14 =	vld [tilespmem:s24+$0x7710]  }
0x9f: {  	v15 =	vld [tilespmem:s24+$0x4F20]  }
0xa0: {  	v16 =	vld [tilespmem:s24+$0x7720]  }
0xa1: {  	v17 =	vld [tilespmem:s24+$0x4F30]  }
0xa2: {  	v18 =	vld [tilespmem:s24+$0x7730]  }
0xa3: {  	v19 =	vld [tilespmem:s24+$0x4F40]  }
0xa4: {  	v20 =	vld [tilespmem:s24+$0x7740]  }
0xa5: {  	v11 =	vld [tilespmem:s24+$0x4F50];
	v4 =	vmul.f32 v5, v4  }
0xa6: {  	v6 =	vmul.f32 v12, v6;
	v13 =	vmul.f32 v14, v13;
	v12 =	vld [tilespmem:s24+$0x7750]  }
0xa7: {  	v14 =	vmul.f32 v16, v15;
	v15 =	vmul.f32 v18, v17;
	v5 =	vadd.f32 v4, v10;
	v10 =	vld [tilespmem:s24+$0x4F60]  }
0xa8: {  	s23 =	simm.s32 $0x80;
	v6 =	vadd.f32 v6, v7;
	v4 =	vadd.f32 v13, v9;
	v9 =	vld [tilespmem:s24+$0x7760]  }
0xa9: {  	v3 =	vadd.f32 v14, v3;
	v7 =	vld [tilespmem:s23+$0x4F70];
	s24 =	simm.s32 $0x400;
	v8 =	vadd.f32 v15, v8;
	v13 =	vmul.f32 v20, v19  }
.LBB2_8:
0xaa: {  	p0 =	sne.s32 s24, $0x9E00;
	v14 =	vld [tilespmem:s23+$0x7770]  }
0xab: {  	v15 =	vld [tilespmem:s23+$0x4F00];
	v2 =	vadd.f32 v13, v2;
	v11 =	vmul.f32 v12, v11  }
0xac: {  	v12 =	vld [tilespmem:s23+$0x7700]  }
0xad: {  	v13 =	vld [tilespmem:s23+$0x4F10];
	v1 =	vadd.f32 v11, v1;
	v9 =	vmul.f32 v9, v10  }
0xae: {  	v10 =	vld [tilespmem:s23+$0x7710]  }
0xaf: {  	v11 =	vld [tilespmem:s23+$0x4F20];
	v7 =	vmul.f32 v14, v7;
	v0 =	vadd.f32 v9, v0  }
0xb0: {  	v9 =	vld [tilespmem:s23+$0x7720]  }
0xb1: {  	v12 =	vmul.f32 v12, v15;
	v14 =	vld [tilespmem:s23+$0x4F30];
	v5 =	vadd.f32 v7, v5  }
0xb2: {  	v7 =	vld [tilespmem:s23+$0x7730]  }
0xb3: {  	v6 =	vadd.f32 v12, v6;
	v10 =	vmul.f32 v10, v13;
	v13 =	vld [tilespmem:s23+$0x4F40]  }
0xb4: {  	v15 =	vld [tilespmem:s23+$0x7740]  }
.Ltmp3:
0xb5: {  	v4 =	vadd.f32 v10, v4;
	v9 =	vmul.f32 v9, v11;
	v11 =	vld [tilespmem:s23+$0x4F50];
	(pc) =	sbr.rel @p0 .LBB2_8-.Ltmp3, $4  }
0xb6: {  	v12 =	vld [tilespmem:s23+$0x7750]  }
0xb7: {  	v3 =	vadd.f32 v9, v3;
	v14 =	vmul.f32 v7, v14;
	v10 =	vld [tilespmem:s23+$0x4F60]  }
0xb8: {  	v9 =	vld [tilespmem:s23+$0x7760];
	s23 =	sshra.s32 s24, $0x2  }
0xb9: {  	s24 =	sadd.s32 $0x200, s24;
	v7 =	vld [tilespmem:s23+$0x4F70];
	v8 =	vadd.f32 v14, v8;
	v13 =	vmul.f32 v15, v13  }
0xba: {  	v14 =	vld [tilespmem:s23+$0x7770]  }
0xbb: {  	v15 =	vld [tilespmem:s23+$0x4F00]  }
0xbc: {  	v16 =	vld [tilespmem:s23+$0x7700]  }
0xbd: {  	v17 =	vld [tilespmem:s23+$0x4F10]  }
0xbe: {  	v18 =	vld [tilespmem:s23+$0x7710]  }
0xbf: {  	v19 =	vld [tilespmem:s23+$0x4F20]  }
0xc0: {  	v20 =	vld [tilespmem:s23+$0x7720]  }
0xc1: {  	v21 =	vld [tilespmem:s23+$0x4F30]  }
0xc2: {  	v22 =	vld [tilespmem:s23+$0x7730]  }
0xc3: {  	v23 =	vld [tilespmem:s23+$0x4F40]  }
0xc4: {  	v24 =	vld [tilespmem:s23+$0x7740]  }
0xc5: {  	v25 =	vld [tilespmem:s23+$0x4F50]  }
0xc6: {  	v26 =	vld [tilespmem:s23+$0x7750]  }
0xc7: {  	v27 =	vld [tilespmem:s23+$0x4F60]  }
0xc8: {  	v28 =	vld [tilespmem:s23+$0x7760];
	s23 =	simm.s32 $0x0  }
0xc9: {  	[tilespmem:s23], [sflag:$0x5] =	stream.linear.gather [hbm4b:s7+s23], $0x2710, $0x38;
	[tilespmem:$0xEF80] =	vst v63  }
0xca: {  	v11 =	vmul.f32 v12, v11;
	_ =	swait.ge [sflag:s10], $0x2710;
	v9 =	vmul.f32 v9, v10  }
0xcb: {  	v2 =	vadd.f32 v13, v2;
	v13 =	vimm.f32 $0.0e+00;
	[sflag:s10] =	ssyncset.done $0x0;
	v7 =	vmul.f32 v14, v7  }
0xcc: {  	v1 =	vadd.f32 v11, v1;
	[sflag:s10] =	ssyncadd.s32 $0xFFFFD8F0;
	v10 =	vmul.f32 v16, v15;
	v9 =	vadd.f32 v9, v0  }
0xcd: {  	[tilespmem:s11], [sflag:$0x5] =	stream.linear.gather [hbm4b:s4+s23], $0x2710, $0x38;
	v11 =	vmul.f32 v24, v23;
	v12 =	vmul.f32 v26, v25;
	v0 =	vadd.f32 v7, v5;
	[tilespmem:$0xEF80] =	vst v63  }
0xce: {  	_ =	swait.ge [sflag:s10], $0x2710;
	v7 =	vmul.f32 v18, v17;
	v5 =	vadd.f32 v10, v6;
	v6 =	vmul.f32 v20, v19  }
0xcf: {  	v16 =	vimm.f32 $0.0e+00;
	v15 =	vimm.f32 $0.0e+00;
	v10 =	vmul.f32 v22, v21;
	[sflag:s10] =	ssyncset.done $0x0  }
0xd0: {  	v17 =	vimm.f32 $0.0e+00;
	[sflag:s10] =	ssyncadd.s32 $0xFFFFD8F0;
	v7 =	vadd.f32 v7, v4;
	v6 =	vadd.f32 v6, v3  }
0xd1: {  	v4 =	vadd.f32 v10, v8;
	v8 =	vmul.f32 v28, v27;
	[tilespmem:s13], [sflag:$0x1] =	stream.indirect.gather [hbm4b:s2+s12], $0x80, s23, s12, $0xb8;
	v3 =	vadd.f32 v11, v2;
	[tilespmem:$0xEF80] =	vst v63  }
0xd2: {  	v2 =	vadd.f32 v12, v1;
	v11 =	vimm.f32 $0.0e+00;
	v10 =	vimm.f32 $0.0e+00  }
0xd3: {  	v1 =	vadd.f32 v8, v9;
	[tilespmem:s14], [sflag:$0x2] =	stream.indirect.gather [hbm4b:s2+s12], $0x80, s11, s12, $0xb8;
	v8 =	vimm.f32 $0.0e+00;
	v9 =	vimm.f32 $0.0e+00;
	[tilespmem:$0xEF80] =	vst v63  }
.LBB2_10:
0xd4: {  	s24 =	smul.u32 $0xA0, s23;
	_ =	sdelay $0x1  }
0xd5: {  	s25 =	sadd.s32 $0x50, s24  }
0xd6: {  	[tilespmem:s15], [sflag:$0x3] =	stream.indirect.gather [hbm4b:s2+s12], $0x80, s25, s12, $0xb8;
	[tilespmem:$0xEF80] =	vst v63  }
0xd7: {  	s31 =	sadd.s32 $0x27D0, s24  }
0xd8: {  	[tilespmem:s16], [sflag:$0x4] =	stream.indirect.gather [hbm4b:s2+s12], $0x80, s31, s12, $0xb8;
	[tilespmem:$0xEF80] =	vst v63  }
0xd9: {  	_ =	swait.ge [sflag:s17], $0x2800  }
0xda: {  	[sflag:s17] =	ssyncset.done $0x0  }
0xdb: {  	[sflag:s17] =	ssyncadd.s32 $0xFFFFD800  }
0xdc: {  	_ =	swait.ge [sflag:s18], $0x2800  }
0xdd: {  	[sflag:s18] =	ssyncset.done $0x0  }
0xde: {  	s26 =	simm.s32 $0x0;
	[sflag:s18] =	ssyncadd.s32 $0xFFFFD800  }
0xdf: {  	v12 =	vld [tilespmem:s26+$0x4F70]  }
0xe0: {  	v14 =	vld [tilespmem:s26+$0x7770]  }
0xe1: {  	v19 =	vld [tilespmem:s26+$0x4F00]  }
0xe2: {  	v20 =	vld [tilespmem:s26+$0x7700]  }
0xe3: {  	v21 =	vld [tilespmem:s26+$0x4F10]  }
0xe4: {  	v22 =	vld [tilespmem:s26+$0x7710]  }
0xe5: {  	v23 =	vld [tilespmem:s26+$0x4F20]  }
0xe6: {  	v24 =	vld [tilespmem:s26+$0x7720]  }
0xe7: {  	v25 =	vld [tilespmem:s26+$0x4F30]  }
0xe8: {  	v26 =	vld [tilespmem:s26+$0x7730]  }
0xe9: {  	v27 =	vld [tilespmem:s26+$0x4F40]  }
0xea: {  	v28 =	vld [tilespmem:s26+$0x7740]  }
0xeb: {  	v18 =	vld [tilespmem:s26+$0x4F50];
	v12 =	vmul.f32 v14, v12  }
0xec: {  	v29 =	vmul.f32 v20, v19;
	v21 =	vmul.f32 v22, v21;
	v19 =	vld [tilespmem:s26+$0x7750]  }
0xed: {  	v22 =	vmul.f32 v26, v25;
	v20 =	vld [tilespmem:s26+$0x4F60];
	v14 =	vadd.f32 v12, v11;
	v11 =	vmul.f32 v24, v23  }
0xee: {  	s25 =	simm.s32 $0x80;
	v15 =	vadd.f32 v29, v15;
	v12 =	vadd.f32 v21, v17;
	v17 =	vld [tilespmem:s26+$0x7760]  }
0xef: {  	s26 =	simm.s32 $0x400;
	v13 =	vadd.f32 v22, v13;
	v21 =	vmul.f32 v28, v27;
	v11 =	vadd.f32 v11, v16;
	v16 =	vld [tilespmem:s25+$0x4F70]  }
.LBB2_11:
0xf0: {  	p0 =	sne.s32 s26, $0x9E00;
	v22 =	vld [tilespmem:s25+$0x7770]  }
0xf1: {  	v23 =	vld [tilespmem:s25+$0x4F00];
	v10 =	vadd.f32 v21, v10;
	v18 =	vmul.f32 v19, v18  }
0xf2: {  	v19 =	vld [tilespmem:s25+$0x7700]  }
0xf3: {  	v21 =	vld [tilespmem:s25+$0x4F10];
	v9 =	vadd.f32 v18, v9;
	v17 =	vmul.f32 v17, v20  }
0xf4: {  	v18 =	vld [tilespmem:s25+$0x7710]  }
0xf5: {  	v20 =	vld [tilespmem:s25+$0x4F20];
	v16 =	vmul.f32 v22, v16;
	v8 =	vadd.f32 v17, v8  }
0xf6: {  	v17 =	vld [tilespmem:s25+$0x7720]  }
0xf7: {  	v19 =	vmul.f32 v19, v23;
	v22 =	vld [tilespmem:s25+$0x4F30];
	v14 =	vadd.f32 v16, v14  }
0xf8: {  	v16 =	vld [tilespmem:s25+$0x7730]  }
0xf9: {  	v15 =	vadd.f32 v19, v15;
	v18 =	vmul.f32 v18, v21;
	v21 =	vld [tilespmem:s25+$0x4F40]  }
0xfa: {  	v23 =	vld [tilespmem:s25+$0x7740]  }
.Ltmp4:
0xfb: {  	v12 =	vadd.f32 v18, v12;
	v17 =	vmul.f32 v17, v20;
	v18 =	vld [tilespmem:s25+$0x4F50];
	(pc) =	sbr.rel @p0 .LBB2_11-.Ltmp4, $4  }
0xfc: {  	v19 =	vld [tilespmem:s25+$0x7750]  }
0xfd: {  	v11 =	vadd.f32 v17, v11;
	v22 =	vmul.f32 v16, v22;
	v20 =	vld [tilespmem:s25+$0x4F60]  }
0xfe: {  	v17 =	vld [tilespmem:s25+$0x7760];
	s25 =	sshra.s32 s26, $0x2  }
0xff: {  	s26 =	sadd.s32 $0x200, s26;
	v16 =	vld [tilespmem:s25+$0x4F70];
	v13 =	vadd.f32 v22, v13;
	v21 =	vmul.f32 v23, v21  }
0x100: {  	v22 =	vld [tilespmem:s25+$0x7770]  }
0x101: {  	v23 =	vld [tilespmem:s25+$0x4F00]  }
0x102: {  	v24 =	vld [tilespmem:s25+$0x7700]  }
0x103: {  	v25 =	vld [tilespmem:s25+$0x4F10]  }
0x104: {  	v26 =	vld [tilespmem:s25+$0x7710]  }
0x105: {  	v27 =	vld [tilespmem:s25+$0x4F20]  }
0x106: {  	v28 =	vld [tilespmem:s25+$0x7720]  }
0x107: {  	v29 =	vld [tilespmem:s25+$0x4F30]  }
0x108: {  	v30 =	vld [tilespmem:s25+$0x7730]  }
0x109: {  	v31 =	vld [tilespmem:s25+$0x4F40]  }
0x10a: {  	v32 =	vld [tilespmem:s25+$0x7740]  }
0x10b: {  	v33 =	vld [tilespmem:s25+$0x4F50]  }
0x10c: {  	v34 =	vld [tilespmem:s25+$0x7750]  }
0x10d: {  	v35 =	vld [tilespmem:s25+$0x4F60];
	s29 =	sadd.s32 $0xA0, s24  }
0x10e: {  	v36 =	vld [tilespmem:s25+$0x7760];
	[tilespmem:s13], [sflag:$0x1] =	stream.indirect.gather [hbm4b:s2+s12], $0x80, s29, s12, $0xb8  }
0x10f: {  	s30 =	sadd.s32 $0x2820, s24  }
0x110: {  	[tilespmem:s14], [sflag:$0x2] =	stream.indirect.gather [hbm4b:s2+s12], $0x80, s30, s12, $0xb8;
	[tilespmem:$0xEF80] =	vst v63  }
0x111: {  	_ =	swait.ge [sflag:s19], $0x2800  }
0x112: {  	[sflag:s19] =	ssyncset.done $0x0  }
0x113: {  	[sflag:s19] =	ssyncadd.s32 $0xFFFFD800  }
0x114: {  	_ =	swait.ge [sflag:s20], $0x2800  }
0x115: {  	[sflag:s20] =	ssyncset.done $0x0  }
0x116: {  	s31 =	simm.s32 $0x0;
	[sflag:s20] =	ssyncadd.s32 $0xFFFFD800  }
0x117: {  	v37 =	vld [tilespmem:s31+$0x9F70]  }
0x118: {  	v38 =	vld [tilespmem:s31+$0xC770]  }
0x119: {  	v39 =	vld [tilespmem:s31+$0x9F00]  }
0x11a: {  	v40 =	vld [tilespmem:s31+$0xC700]  }
0x11b: {  	v41 =	vld [tilespmem:s31+$0x9F10]  }
0x11c: {  	v18 =	vmul.f32 v19, v18;
	v19 =	vld [tilespmem:s31+$0xC710]  }
0x11d: {  	v17 =	vmul.f32 v17, v20;
	v16 =	vmul.f32 v22, v16;
	v20 =	vld [tilespmem:s31+$0x9F20]  }
0x11e: {  	v10 =	vadd.f32 v21, v10;
	v18 =	vadd.f32 v18, v9;
	v9 =	vmul.f32 v24, v23;
	v21 =	vld [tilespmem:s31+$0xC720]  }
0x11f: {  	v17 =	vadd.f32 v17, v8;
	v8 =	vmul.f32 v26, v25;
	v14 =	vadd.f32 v16, v14;
	v22 =	vld [tilespmem:s31+$0x9F30]  }
0x120: {  	v15 =	vadd.f32 v9, v15;
	v9 =	vmul.f32 v28, v27;
	v16 =	vmul.f32 v30, v29;
	v23 =	vld [tilespmem:s31+$0xC730]  }
0x121: {  	v58 =	vmul.f32 v34, v33;
	v12 =	vadd.f32 v8, v12;
	v8 =	vmul.f32 v32, v31;
	v59 =	vld [tilespmem:s31+$0x9F40]  }
0x122: {  	v60 =	vadd.f32 v9, v11;
	v61 =	vadd.f32 v16, v13;
	v11 =	vmul.f32 v36, v35;
	v62 =	vld [tilespmem:s31+$0xC740]  }
0x123: {  	v9 =	vadd.f32 v8, v10;
	v8 =	vadd.f32 v58, v18;
	v16 =	vld [tilespmem:s31+$0x9F50];
	v13 =	vmul.f32 v38, v37  }
0x124: {  	v10 =	vadd.f32 v11, v17;
	v17 =	vld [tilespmem:s31+$0xC750];
	v63 =	vmul.f32 v40, v39;
	v19 =	vmul.f32 v19, v41  }
0x125: {  	v18 =	vld [tilespmem:s31+$0x9F60];
	v11 =	vadd.f32 v13, v14;
	v14 =	vmul.f32 v21, v20;
	v21 =	vmul.f32 v23, v22  }
0x126: {  	s24 =	simm.s32 $0x80;
	v15 =	vadd.f32 v63, v15;
	v13 =	vadd.f32 v19, v12;
	v20 =	vld [tilespmem:s31+$0xC760]  }
0x127: {  	s25 =	simm.s32 $0x400;
	v19 =	vld [tilespmem:s24+$0x9F70];
	v14 =	vadd.f32 v14, v60;
	v12 =	vadd.f32 v21, v61;
	v21 =	vmul.f32 v62, v59  }
.LBB2_13:
0x128: {  	p0 =	sne.s32 s25, $0x9E00;
	v22 =	vld [tilespmem:s24+$0xC770]  }
0x129: {  	v23 =	vld [tilespmem:s24+$0x9F00];
	v9 =	vadd.f32 v21, v9;
	v16 =	vmul.f32 v17, v16  }
0x12a: {  	v17 =	vld [tilespmem:s24+$0xC700]  }
0x12b: {  	v21 =	vld [tilespmem:s24+$0x9F10];
	v8 =	vadd.f32 v16, v8;
	v16 =	vmul.f32 v20, v18  }
0x12c: {  	v18 =	vld [tilespmem:s24+$0xC710]  }
0x12d: {  	v20 =	vld [tilespmem:s24+$0x9F20];
	v19 =	vmul.f32 v22, v19;
	v10 =	vadd.f32 v16, v10  }
0x12e: {  	v16 =	vld [tilespmem:s24+$0xC720]  }
0x12f: {  	v17 =	vmul.f32 v17, v23;
	v22 =	vld [tilespmem:s24+$0x9F30];
	v11 =	vadd.f32 v19, v11  }
0x130: {  	v19 =	vld [tilespmem:s24+$0xC730]  }
0x131: {  	v15 =	vadd.f32 v17, v15;
	v17 =	vmul.f32 v18, v21;
	v21 =	vld [tilespmem:s24+$0x9F40]  }
0x132: {  	v23 =	vld [tilespmem:s24+$0xC740]  }
.Ltmp5:
0x133: {  	v13 =	vadd.f32 v17, v13;
	v18 =	vmul.f32 v16, v20;
	v16 =	vld [tilespmem:s24+$0x9F50];
	(pc) =	sbr.rel @p0 .LBB2_13-.Ltmp5, $4  }
0x134: {  	v17 =	vld [tilespmem:s24+$0xC750]  }
0x135: {  	v14 =	vadd.f32 v18, v14;
	v22 =	vmul.f32 v19, v22;
	v18 =	vld [tilespmem:s24+$0x9F60]  }
0x136: {  	v20 =	vld [tilespmem:s24+$0xC760];
	s24 =	sshra.s32 s25, $0x2  }
0x137: {  	s25 =	sadd.s32 $0x200, s25;
	v19 =	vld [tilespmem:s24+$0x9F70];
	v12 =	vadd.f32 v22, v12;
	v21 =	vmul.f32 v23, v21  }
0x138: {  	v22 =	vld [tilespmem:s24+$0xC770]  }
0x139: {  	v23 =	vld [tilespmem:s24+$0x9F00]  }
0x13a: {  	v24 =	vld [tilespmem:s24+$0xC700]  }
0x13b: {  	v25 =	vld [tilespmem:s24+$0x9F10]  }
0x13c: {  	v26 =	vld [tilespmem:s24+$0xC710]  }
0x13d: {  	v27 =	vld [tilespmem:s24+$0x9F20]  }
0x13e: {  	v28 =	vld [tilespmem:s24+$0xC720]  }
0x13f: {  	v29 =	vld [tilespmem:s24+$0x9F30]  }
0x140: {  	v30 =	vld [tilespmem:s24+$0xC730]  }
0x141: {  	v31 =	vld [tilespmem:s24+$0x9F40]  }
0x142: {  	v32 =	vld [tilespmem:s24+$0xC740]  }
0x143: {  	v33 =	vld [tilespmem:s24+$0x9F50]  }
0x144: {  	v34 =	vld [tilespmem:s24+$0xC750]  }
0x145: {  	v35 =	vld [tilespmem:s24+$0x9F60]  }
0x146: {  	v16 =	vmul.f32 v17, v16;
	v17 =	vmul.f32 v20, v18;
	v18 =	vld [tilespmem:s24+$0xC760]  }
0x147: {  	s23 =	sadd.s32 $0x1, s23;
	v9 =	vadd.f32 v21, v9;
	v19 =	vmul.f32 v22, v19;
	v62 =	vmul.f32 v24, v23  }
0x148: {  	p0 =	sne.s32 s23, $0x3E;
	v8 =	vadd.f32 v16, v8;
	v63 =	vadd.f32 v17, v10;
	v10 =	vmul.f32 v26, v25  }
.Ltmp6:
0x149: {  	v16 =	vmul.f32 v28, v27;
	v11 =	vadd.f32 v19, v11;
	v15 =	vadd.f32 v62, v15;
	(pc) =	sbr.rel @p0 .LBB2_10-.Ltmp6, $4  }
0x14a: {  	v17 =	vadd.f32 v10, v13;
	v10 =	vmul.f32 v30, v29;
	v19 =	vmul.f32 v32, v31  }
0x14b: {  	v16 =	vadd.f32 v16, v14;
	v14 =	vmul.f32 v34, v33;
	v18 =	vmul.f32 v18, v35  }
0x14c: {  	v13 =	vadd.f32 v10, v12;
	v10 =	vadd.f32 v19, v9  }
0x14d: {  	v9 =	vadd.f32 v14, v8;
	v8 =	vadd.f32 v18, v63  }
0x14e: {  	_ =	swait.ge [sflag:s17], $0x2800  }
0x14f: {  	[sflag:s17] =	ssyncset.done $0x0  }
0x150: {  	[sflag:s17] =	ssyncadd.s32 $0xFFFFD800  }
0x151: {  	_ =	swait.ge [sflag:s18], $0x2800  }
0x152: {  	[sflag:s18] =	ssyncset.done $0x0  }
0x153: {  	s24 =	simm.s32 $0x0;
	[sflag:s18] =	ssyncadd.s32 $0xFFFFD800  }
0x154: {  	v12 =	vld [tilespmem:s24+$0x4F70]  }
0x155: {  	v14 =	vld [tilespmem:s24+$0x7770]  }
0x156: {  	v18 =	vld [tilespmem:s24+$0x4F00]  }
0x157: {  	v20 =	vld [tilespmem:s24+$0x7700]  }
0x158: {  	v21 =	vld [tilespmem:s24+$0x4F10]  }
0x159: {  	v22 =	vld [tilespmem:s24+$0x7710]  }
0x15a: {  	v23 =	vld [tilespmem:s24+$0x4F20]  }
0x15b: {  	v24 =	vld [tilespmem:s24+$0x7720]  }
0x15c: {  	v25 =	vld [tilespmem:s24+$0x4F30]  }
0x15d: {  	v26 =	vld [tilespmem:s24+$0x7730]  }
0x15e: {  	v27 =	vld [tilespmem:s24+$0x4F40]  }
0x15f: {  	v28 =	vld [tilespmem:s24+$0x7740]  }
0x160: {  	v19 =	vld [tilespmem:s24+$0x4F50];
	v12 =	vmul.f32 v14, v12  }
0x161: {  	v14 =	vmul.f32 v20, v18;
	v20 =	vmul.f32 v22, v21;
	v21 =	vld [tilespmem:s24+$0x7750]  }
0x162: {  	v22 =	vmul.f32 v26, v25;
	v18 =	vld [tilespmem:s24+$0x4F60];
	v11 =	vadd.f32 v12, v11;
	v12 =	vmul.f32 v24, v23  }
0x163: {  	s23 =	simm.s32 $0x80;
	v15 =	vadd.f32 v14, v15;
	v17 =	vadd.f32 v20, v17;
	v20 =	vld [tilespmem:s24+$0x7760]  }
0x164: {  	s24 =	simm.s32 $0x400;
	v14 =	vadd.f32 v12, v16;
	v16 =	vld [tilespmem:s23+$0x4F70];
	v12 =	vadd.f32 v22, v13;
	v13 =	vmul.f32 v28, v27  }
.LBB2_16:
0x165: {  	p0 =	sne.s32 s24, $0x9E00;
	v22 =	vld [tilespmem:s23+$0x7770]  }
0x166: {  	v23 =	vld [tilespmem:s23+$0x4F00];
	v10 =	vadd.f32 v13, v10;
	v13 =	vmul.f32 v21, v19  }
0x167: {  	v19 =	vld [tilespmem:s23+$0x7700]  }
0x168: {  	v21 =	vld [tilespmem:s23+$0x4F10];
	v9 =	vadd.f32 v13, v9;
	v13 =	vmul.f32 v20, v18  }
0x169: {  	v18 =	vld [tilespmem:s23+$0x7710]  }
0x16a: {  	v20 =	vld [tilespmem:s23+$0x4F20];
	v16 =	vmul.f32 v22, v16;
	v8 =	vadd.f32 v13, v8  }
0x16b: {  	v13 =	vld [tilespmem:s23+$0x7720]  }
0x16c: {  	v19 =	vmul.f32 v19, v23;
	v22 =	vld [tilespmem:s23+$0x4F30];
	v11 =	vadd.f32 v16, v11  }
0x16d: {  	v16 =	vld [tilespmem:s23+$0x7730]  }
0x16e: {  	v15 =	vadd.f32 v19, v15;
	v18 =	vmul.f32 v18, v21;
	v23 =	vld [tilespmem:s23+$0x4F40]  }
0x16f: {  	v24 =	vld [tilespmem:s23+$0x7740]  }
.Ltmp7:
0x170: {  	v17 =	vadd.f32 v18, v17;
	v13 =	vmul.f32 v13, v20;
	v19 =	vld [tilespmem:s23+$0x4F50];
	(pc) =	sbr.rel @p0 .LBB2_16-.Ltmp7, $4  }
0x171: {  	v21 =	vld [tilespmem:s23+$0x7750]  }
0x172: {  	v14 =	vadd.f32 v13, v14;
	v13 =	vmul.f32 v16, v22;
	v18 =	vld [tilespmem:s23+$0x4F60]  }
0x173: {  	v20 =	vld [tilespmem:s23+$0x7760];
	s23 =	sshra.s32 s24, $0x2  }
0x174: {  	s24 =	sadd.s32 $0x200, s24;
	v16 =	vld [tilespmem:s23+$0x4F70];
	v12 =	vadd.f32 v13, v12;
	v13 =	vmul.f32 v24, v23  }
0x175: {  	v22 =	vld [tilespmem:s23+$0x4F00]  }
0x176: {  	v23 =	vld [tilespmem:s23+$0x7700]  }
0x177: {  	v24 =	vld [tilespmem:s23+$0x4F10]  }
0x178: {  	v25 =	vld [tilespmem:s23+$0x7710]  }
0x179: {  	v26 =	vld [tilespmem:s23+$0x4F20]  }
0x17a: {  	v27 =	vld [tilespmem:s23+$0x7720]  }
0x17b: {  	v28 =	vld [tilespmem:s23+$0x4F30]  }
0x17c: {  	v29 =	vld [tilespmem:s23+$0x7730]  }
0x17d: {  	v30 =	vld [tilespmem:s23+$0x4F40];
	v22 =	vmul.f32 v23, v22;
	v39 =	vmul.f32 v25, v24  }
0x17e: {  	v40 =	vld [tilespmem:s23+$0x7740]  }
0x17f: {  	v41 =	vld [tilespmem:s23+$0x4F50];
	v42 =	vmul.f32 v27, v26;
	v15 =	vadd.f32 v22, v15;
	v17 =	vadd.f32 v39, v17  }
0x180: {  	v43 =	vld [tilespmem:s23+$0x7750]  }
0x181: {  	v46 =	vld [tilespmem:s23+$0x4F60];
	v45 =	vmul.f32 v29, v28;
	v14 =	vadd.f32 v42, v14;
	v15 =	vadd.f32 v17, v15  }
0x182: {  	v47 =	vld [tilespmem:s23+$0x7760];
	v5 =	vadd.f32 v7, v5;
	v10 =	vadd.f32 v13, v10;
	v44 =	vmul.f32 v21, v19  }
0x183: {  	v49 =	vld [tilespmem:s23+$0x7770];
	v48 =	vmul.f32 v40, v30;
	v12 =	vadd.f32 v45, v12;
	v50 =	vadd.f32 v14, v15  }
0x184: {  	v5 =	vadd.f32 v6, v5;
	v9 =	vadd.f32 v44, v9;
	v51 =	vmul.f32 v20, v18  }
0x185: {  	v52 =	vmul.f32 v43, v41;
	v10 =	vadd.f32 v48, v10;
	v53 =	vadd.f32 v12, v50  }
0x186: {  	v4 =	vadd.f32 v4, v5;
	v54 =	vadd.f32 v51, v8  }
0x187: {  	v56 =	vmul.f32 v47, v46;
	v55 =	vadd.f32 v52, v9;
	v57 =	vadd.f32 v10, v53  }
0x188: {  	v58 =	vmul.f32 v49, v16;
	v3 =	vadd.f32 v3, v4  }
0x189: {  	v7 =	vadd.f32 v56, v54;
	v59 =	vadd.f32 v55, v57  }
0x18a: {  	v60 =	vadd.f32 v58, v11  }
0x18b: {  	v2 =	vadd.f32 v2, v3;
	v61 =	vadd.f32 v7, v59;
	_ =	sdelay $0x1  }
0x18c: {  	v1 =	vadd.f32 v1, v2;
	v62 =	vadd.f32 v60, v61;
	_ =	sdelay $0x1  }
0x18d: {  	v0 =	vadd.f32 v0, v1;
	v63 =	vmul.f32 $0.0e+00, v62;
	_ =	sdelay $0x1  }
0x18e: {  	v0 =	vadd.f32 v63, v0;
	_ =	sdelay $0x1  }
0x18f: {  	v0 =	vsub.f32 v0, v0;
	_ =	sdelay $0x1  }
0x190: {  	s22 =	sadd.s32 $0x1, s22;
	v0 =	vmul.f32 $-1.562499960e-06, v0  }
0x191: {  	p0 =	sne.s32 s22, s9  }
.Ltmp8:
0x192: {  	[tilespmem:$0xEF00] =	vst v0;
	(pc) =	sbr.rel @p0 .LBB2_1-.Ltmp8, $4  }
0x193: {  	[hbm4b:s8+s3] =	stream.linear.scatter [tilespmem:s21], [sflag:$0x5], $0x80, $0x38;
	[tilespmem:$0xEF80] =	vst v63  }
0x194: {  	_ =	swait.ge [sflag:s10], $0x80  }
0x195: {  	[sflag:s10] =	ssyncset.done $0x0  }
0x196: {  	[sflag:s10] =	ssyncadd.s32 $0xFFFFFF80  }
0x197: {  	_ =	sfence.sel $0x180000  }
0x198: {  	[bflag:$0x0] =	sbarrier.arrive $0xFFFF  }
0x199: {  	p0 =	sne.s32 s0, $0x0;
	_ =	strace $0x90000047  }
0x19a: {  	s0 =	sadd.s32 @!p0 $0x100000, s1;
	[bflag:$0x2] =	sbarrier.arrive $0xFFFF  }
0x19b: {  	[sflag:s0] =	ssyncadd.tile.s32 @!p0 $0x1;
	_ =	shalt  }
.Lfunc_end2:
_tile_overlayer_lowered:
.L_overlay_start_2:
0x19c: {  	(tag) =	ssettag $0x2  }
0x19d: {  	s0 =	rddreg [dreg:$0x0];
	s2 =	stileid.u32  }
0x19e: {  	s1 =	rddreg [dreg:$0x1];
	p0 =	sne.s32 s2, $0x0  }
0x19f: {  	s3 =	rddreg [dreg:$0x2];
	[bflag:$0x3] =	sbarrier.arrive $0xFFFF;
	s2 =	simm.s32 @!p0 $0x1C05  }
0x1a0: {  	[timem:s3], [sflag:s2] =	dma.local @!p0 [hbm:s0], s1  }
0x1a1: {  	s0 =	simm.s32 @!p0 $0x5  }
0x1a2: {  	_ =	swait.ge @!p0 [sflag:s0], s1  }
0x1a3: {  	s1 =	ssub.s32 @!p0 $0x0, s1;
	[sflag:s0] =	ssyncset.done @!p0 $0x0  }
0x1a4: {  	[sflag:s0] =	ssyncadd.s32 @!p0 s1  }
0x1a5: {  	[bflag:$0x3] =	sbarrier.arrive $0xFFFF  }
0x1a6: {  	_ =	shalt  }

</sc_bundles>
